<compile_context>
chip_gen: v7x
topology: tpu7x:2x2x1
jax: 0.10.2.dev20260603
libtpu: 0.0.44.dev20260713+nightly
codegen_flags: <defaults>
</compile_context>

<pallas_src>
import functools

import jax
import jax.numpy as jnp
from jax import lax
from jax.experimental import pallas as pl
from jax.experimental.pallas import tpu as pltpu
from jax.experimental.pallas import tpu_sc as plsc

B, T, C = 64, 2048, 64
MAXR, MAXC = 11, 11
CPAD = 16
N = T * C
GS = 8
NW = 32
NTASK = MAXC * (B // GS)


def _gather_body(src_ref, x_ref, comp_ref):
    xb = x_ref[...]
    s1 = jnp.sum(xb, axis=(1, 2))
    s2 = jnp.sum(xb * xb, axis=(1, 2))
    mean = s1 * (1.0 / N)
    var = (s2 - s1 * mean) * (1.0 / (N - 1))
    rstd = 1.0 / (jnp.sqrt(var) + 1e-6)
    iota_c = jax.lax.broadcasted_iota(jnp.int32, (CPAD, C), 1)
    w = (iota_c == src_ref[0][:, None]).astype(jnp.bfloat16)
    hi = xb.astype(jnp.bfloat16)
    lo = (xb - hi.astype(jnp.float32)).astype(jnp.bfloat16)
    dn = (((1,), (1,)), ((), ()))
    y = jax.lax.dot_general(w, hi, dn, preferred_element_type=jnp.float32)
    y = y + jax.lax.dot_general(w, lo, dn, preferred_element_type=jnp.float32)
    comp_ref[...] = (y - mean[None, :, None]) * rstd[None, :, None]


def _sc_body(comp_hbm, yo_hbm, data0_v, data1_v, sem0, sem1):
    cid = lax.axis_index("c")
    sid = lax.axis_index("s")
    wid = sid * 2 + cid

    bufs = (data0_v, data1_v)
    sems = (sem0, sem1)
    pending = [None, None]
    for i in range(3):
        tid = (wid + NW * i) % NTASK
        cg = tid % MAXC
        g = tid // MAXC
        p = i % 2
        if pending[p] is not None:
            for cp in pending[p]:
                cp.wait()
        pltpu.sync_copy(comp_hbm.at[cg, pl.ds(GS * g, GS), :], bufs[p])
        pending[p] = [
            pltpu.async_copy(
                bufs[p], yo_hbm.at[r, cg, pl.ds(GS * g, GS), :], sems[p])
            for r in range(MAXR)
        ]
    for p in range(2):
        if pending[p] is not None:
            for cp in pending[p]:
                cp.wait()


def kernel(x, rearrange_idx, original_idx):
    src = jnp.zeros((MAXC,), jnp.int32).at[rearrange_idx].set(original_idx)
    src16 = jnp.pad(src, (0, CPAD - MAXC)).reshape(1, CPAD)
    xt = jnp.transpose(x, (0, 2, 1))

    comp = pl.pallas_call(
        _gather_body,
        grid=(B // GS,),
        in_specs=[
            pl.BlockSpec((1, CPAD), lambda g: (0, 0)),
            pl.BlockSpec((GS, C, T), lambda g: (g, 0, 0)),
        ],
        out_specs=pl.BlockSpec((CPAD, GS, T), lambda g: (0, g, 0)),
        out_shape=jax.ShapeDtypeStruct((CPAD, B, T), jnp.float32),
    )(src16, xt)

    mesh = plsc.VectorSubcoreMesh(core_axis_name="c", subcore_axis_name="s")
    f = functools.partial(
        pl.kernel,
        mesh=mesh,
        compiler_params=pltpu.CompilerParams(
            needs_layout_passes=False, use_tc_tiling_on_sc=True),
        out_type=jax.ShapeDtypeStruct((MAXR, MAXC, B, T), jnp.float32),
        scratch_types=[
            pltpu.VMEM((GS, T), jnp.float32),
            pltpu.VMEM((GS, T), jnp.float32),
            pltpu.SemaphoreType.DMA,
            pltpu.SemaphoreType.DMA,
        ],
    )(_sc_body)
    yo = f(comp)

    return jnp.transpose(yo, (2, 3, 0, 1))

# --- scband reference (transcript-rebuilt; emitter-appended) ---
"""Pipeline reference for scband-channel2-d-1365799600376 (READ-ONLY COPY).

The authoritative reference and input builder live on the scoring server;
editing this copy changes nothing except your own understanding.
"""

import jax, jax.numpy as jnp
import numpy as np

MAX_ROW = 11
MAX_COL = 11


def setup_inputs(seed: int = 0) -> dict:
    key = jax.random.key(seed)
    k1, k2 = jax.random.split(key)
    x = jax.random.normal(k1, (64, 2048, 64), dtype=jnp.float32)
    rearrange_idx = jnp.arange(11, dtype=jnp.int32)  # unique grid-column slots, mimics CHANNEL2D_ENUM values
    original_idx = jax.random.randint(k2, (11,), 0, 64, dtype=jnp.int32)  # source electrode channels
    return {"x": x, "rearrange_idx": rearrange_idx, "original_idx": original_idx}


def reference(x, rearrange_idx, original_idx):
    # Normalize per-sample over (time, channel) dims, like torch mean/std over dims (1,2)
    x_mean = jnp.mean(x, axis=(1, 2), keepdims=True)
    x_std = jnp.std(x, axis=(1, 2), keepdims=True, ddof=1)  # torch.std is unbiased by default
    xn = (x - x_mean) / (x_std + 1e-06)
    # Gather the source channels
    vals = jnp.take(xn, original_idx, axis=-1)  # [B, T, K]
    # torch assignment y[..., rearrange_idx] = x[..., original_idx] broadcasts over the row dim
    vals_b = jnp.broadcast_to(vals[..., None, :], vals.shape[:-1] + (MAX_ROW, vals.shape[-1]))
    y = jnp.zeros(x.shape[:-1] + (MAX_ROW, MAX_COL), dtype=x.dtype)
    y = y.at[..., rearrange_idx].set(vals_b)  # scatter-overwrite into 2D grid columns
    return y

if __name__ == "__main__":
    import jax
    _d = setup_inputs()
    print(jax.jit(kernel)(*tuple(_d.values())))

</pallas_src>

<mosaic_0001>
#map = affine_map<(d0, d1) -> (0, 0, 0)>
#map1 = affine_map<(d0, d1) -> (0, 0, 0, 0)>
module attributes {stable_mosaic.version = 14 : i64} {
  func.func @_sc_body(%arg0: i32, %arg1: i32, %arg2: memref<16x64x2048xf32, #tpu.memory_space<hbm>>, %arg3: memref<11x11x64x2048xf32, #tpu.memory_space<hbm>>, %arg4: memref<8x2048xf32, #tpu.memory_space<vmem>>, %arg5: memref<8x2048xf32, #tpu.memory_space<vmem>>, %arg6: memref<!tpu.dma_semaphore, #tpu.memory_space<semaphore_mem>>, %arg7: memref<!tpu.dma_semaphore, #tpu.memory_space<semaphore_mem>>) attributes {dimension_semantics = [#tpu.dimension_semantics<core_parallel>, #tpu.dimension_semantics<subcore_parallel>], iteration_bounds = array<i64: 2, 16>, scalar_prefetch = 0 : i64, scratch_operands = 4 : i64, tpu.core_type = #tpu.core_type<sc_vector_subcore>, window_params = [{transform_indices = #map}, {transform_indices = #map1}]} {
    %mul3A = arith.constant 2 : i32
    %mul3A_0 = arith.muli %arg1, %mul3A : i32
    %add3A = arith.addi %mul3A_0, %arg0 : i32
    %add3A_1 = arith.constant 0 : i32
    %add3A_2 = arith.addi %add3A, %add3A_1 : i32
    %jit3A = arith.constant 88 : i32
    %eq3A = arith.constant 0 : i32
    %eq3A_3 = arith.cmpi eq, %jit3A, %eq3A : i32
    %jit3A_4 = arith.constant 1 : i32
    %select_n3A = arith.select %eq3A_3, %jit3A_4, %jit3A : i32
    %rem3A = arith.remsi %add3A_2, %select_n3A : i32
    %ne3A = arith.constant 0 : i32
    %ne3A_5 = arith.cmpi ne, %rem3A, %ne3A : i32
    %lt3A = arith.constant 0 : i32
    %lt3A_6 = arith.cmpi slt, %rem3A, %lt3A : i32
    %lt3A_7 = arith.constant 0 : i32
    %lt3A_8 = arith.cmpi slt, %select_n3A, %lt3A_7 : i32
    %ne3A_9 = arith.xori %lt3A_6, %lt3A_8 : i1
    %and3A = arith.andi %ne3A_9, %ne3A_5 : i1
    %add3A_10 = arith.addi %rem3A, %select_n3A : i32
    %select_n3A_11 = arith.select %and3A, %add3A_10, %rem3A : i32
    %jit3A_12 = arith.constant 11 : i32
    %eq3A_13 = arith.constant 0 : i32
    %eq3A_14 = arith.cmpi eq, %jit3A_12, %eq3A_13 : i32
    %jit3A_15 = arith.constant 1 : i32
    %select_n3A_16 = arith.select %eq3A_14, %jit3A_15, %jit3A_12 : i32
    %rem3A_17 = arith.remsi %select_n3A_11, %select_n3A_16 : i32
    %ne3A_18 = arith.constant 0 : i32
    %ne3A_19 = arith.cmpi ne, %rem3A_17, %ne3A_18 : i32
    %lt3A_20 = arith.constant 0 : i32
    %lt3A_21 = arith.cmpi slt, %rem3A_17, %lt3A_20 : i32
    %lt3A_22 = arith.constant 0 : i32
    %lt3A_23 = arith.cmpi slt, %select_n3A_16, %lt3A_22 : i32
    %ne3A_24 = arith.xori %lt3A_21, %lt3A_23 : i1
    %and3A_25 = arith.andi %ne3A_24, %ne3A_19 : i1
    %add3A_26 = arith.addi %rem3A_17, %select_n3A_16 : i32
    %select_n3A_27 = arith.select %and3A_25, %add3A_26, %rem3A_17 : i32
    %jit3A_28 = arith.constant 11 : i32
    %div3A = arith.divsi %select_n3A_11, %jit3A_28 : i32
    %sign3A = arith.constant 0 : i32
    %sign3A_29 = arith.cmpi sgt, %select_n3A_11, %sign3A : i32
    %sign3A_30 = arith.extui %sign3A_29 : i1 to i32
    %sign3A_31 = arith.constant 0 : i32
    %sign3A_32 = arith.cmpi slt, %select_n3A_11, %sign3A_31 : i32
    %sign3A_33 = arith.extui %sign3A_32 : i1 to i32
    %sign3A_34 = arith.subi %sign3A_30, %sign3A_33 : i32
    %sign3A_35 = arith.constant 0 : i32
    %sign3A_36 = arith.cmpi sgt, %jit3A_28, %sign3A_35 : i32
    %sign3A_37 = arith.extui %sign3A_36 : i1 to i32
    %sign3A_38 = arith.constant 0 : i32
    %sign3A_39 = arith.cmpi slt, %jit3A_28, %sign3A_38 : i32
    %sign3A_40 = arith.extui %sign3A_39 : i1 to i32
    %sign3A_41 = arith.subi %sign3A_37, %sign3A_40 : i32
    %ne3A_42 = arith.cmpi ne, %sign3A_34, %sign3A_41 : i32
    %rem3A_43 = arith.remsi %select_n3A_11, %jit3A_28 : i32
    %ne3A_44 = arith.constant 0 : i32
    %ne3A_45 = arith.cmpi ne, %rem3A_43, %ne3A_44 : i32
    %and3A_46 = arith.andi %ne3A_42, %ne3A_45 : i1
    %sub3A = arith.constant 1 : i32
    %sub3A_47 = arith.subi %div3A, %sub3A : i32
    %select_n3A_48 = arith.select %and3A_46, %sub3A_47, %div3A : i32
    %mul3A_49 = arith.constant 8 : i32
    %mul3A_50 = arith.muli %mul3A_49, %select_n3A_48 : i32
    "tpu.region"() ({
      %run_scoped3A = tpu.sem_alloc : memref<!tpu.dma_semaphore, #tpu.memory_space<semaphore_mem>>
      %dma_start3A_697 = arith.constant 0 : i32
      %dma_start3A_698 = tpu.memref_slice %arg2[%select_n3A_27, %mul3A_50, %dma_start3A_697] : memref<16x64x2048xf32, #tpu.memory_space<hbm>> -> memref<1x8x2048xf32, #tpu.memory_space<hbm>>
      %dma_start3A_699 = tpu.memref_squeeze %dma_start3A_698 : memref<1x8x2048xf32, #tpu.memory_space<hbm>> -> memref<8x2048xf32, #tpu.memory_space<hbm>>
      %dma_start3A_700 = arith.constant 0 : i32
      %dma_start3A_701 = tpu.memref_slice %arg2[%select_n3A_27, %mul3A_50, %dma_start3A_700] : memref<16x64x2048xf32, #tpu.memory_space<hbm>> -> memref<1x8x2048xf32, #tpu.memory_space<hbm>>
      %dma_start3A_702 = tpu.memref_squeeze %dma_start3A_701 : memref<1x8x2048xf32, #tpu.memory_space<hbm>> -> memref<8x2048xf32, #tpu.memory_space<hbm>>
      tpu.enqueue_dma source(%dma_start3A_702 : memref<8x2048xf32, #tpu.memory_space<hbm>>) target(%arg4 : memref<8x2048xf32, #tpu.memory_space<vmem>>) target_semaphore(%run_scoped3A : memref<!tpu.dma_semaphore, #tpu.memory_space<semaphore_mem>>)
      %dma_wait3A_703 = arith.constant 0 : i32
      %dma_wait3A_704 = tpu.memref_slice %arg2[%select_n3A_27, %mul3A_50, %dma_wait3A_703] : memref<16x64x2048xf32, #tpu.memory_space<hbm>> -> memref<1x8x2048xf32, #tpu.memory_space<hbm>>
      %dma_wait3A_705 = tpu.memref_squeeze %dma_wait3A_704 : memref<1x8x2048xf32, #tpu.memory_space<hbm>> -> memref<8x2048xf32, #tpu.memory_space<hbm>>
      %dma_wait3A_706 = arith.constant 0 : i32
      %dma_wait3A_707 = tpu.memref_slice %arg2[%select_n3A_27, %mul3A_50, %dma_wait3A_706] : memref<16x64x2048xf32, #tpu.memory_space<hbm>> -> memref<1x8x2048xf32, #tpu.memory_space<hbm>>
      %dma_wait3A_708 = tpu.memref_squeeze %dma_wait3A_707 : memref<1x8x2048xf32, #tpu.memory_space<hbm>> -> memref<8x2048xf32, #tpu.memory_space<hbm>>
      tpu.wait_dma2 semaphore(%run_scoped3A : memref<!tpu.dma_semaphore, #tpu.memory_space<semaphore_mem>>) src(%dma_wait3A_708 : memref<8x2048xf32, #tpu.memory_space<hbm>>) dst(%arg4 : memref<8x2048xf32, #tpu.memory_space<vmem>>)
      tpu.yield
    }) : () -> ()
    %mul3A_51 = arith.constant 8 : i32
    %mul3A_52 = arith.muli %mul3A_51, %select_n3A_48 : i32
    %dma_start3A = arith.constant 0 : i32
    %dma_start3A_53 = arith.constant 0 : i32
    %dma_start3A_54 = tpu.memref_slice %arg3[%dma_start3A, %select_n3A_27, %mul3A_52, %dma_start3A_53] : memref<11x11x64x2048xf32, #tpu.memory_space<hbm>> -> memref<1x1x8x2048xf32, #tpu.memory_space<hbm>>
    %dma_start3A_55 = tpu.memref_squeeze %dma_start3A_54 : memref<1x1x8x2048xf32, #tpu.memory_space<hbm>> -> memref<8x2048xf32, #tpu.memory_space<hbm>>
    %dma_start3A_56 = arith.constant 0 : i32
    %dma_start3A_57 = tpu.memref_slice %arg3[%dma_start3A, %select_n3A_27, %mul3A_52, %dma_start3A_56] : memref<11x11x64x2048xf32, #tpu.memory_space<hbm>> -> memref<1x1x8x2048xf32, #tpu.memory_space<hbm>>
    %dma_start3A_58 = tpu.memref_squeeze %dma_start3A_57 : memref<1x1x8x2048xf32, #tpu.memory_space<hbm>> -> memref<8x2048xf32, #tpu.memory_space<hbm>>
    tpu.enqueue_dma source(%arg4 : memref<8x2048xf32, #tpu.memory_space<vmem>>) target(%dma_start3A_58 : memref<8x2048xf32, #tpu.memory_space<hbm>>) target_semaphore(%arg6 : memref<!tpu.dma_semaphore, #tpu.memory_space<semaphore_mem>>)
    %mul3A_59 = arith.constant 8 : i32
    %mul3A_60 = arith.muli %mul3A_59, %select_n3A_48 : i32
    %dma_start3A_61 = arith.constant 1 : i32
    %dma_start3A_62 = arith.constant 0 : i32
    %dma_start3A_63 = tpu.memref_slice %arg3[%dma_start3A_61, %select_n3A_27, %mul3A_60, %dma_start3A_62] : memref<11x11x64x2048xf32, #tpu.memory_space<hbm>> -> memref<1x1x8x2048xf32, #tpu.memory_space<hbm>>
    %dma_start3A_64 = tpu.memref_squeeze %dma_start3A_63 : memref<1x1x8x2048xf32, #tpu.memory_space<hbm>> -> memref<8x2048xf32, #tpu.memory_space<hbm>>
    %dma_start3A_65 = arith.constant 0 : i32
    %dma_start3A_66 = tpu.memref_slice %arg3[%dma_start3A_61, %select_n3A_27, %mul3A_60, %dma_start3A_65] : memref<11x11x64x2048xf32, #tpu.memory_space<hbm>> -> memref<1x1x8x2048xf32, #tpu.memory_space<hbm>>
    %dma_start3A_67 = tpu.memref_squeeze %dma_start3A_66 : memref<1x1x8x2048xf32, #tpu.memory_space<hbm>> -> memref<8x2048xf32, #tpu.memory_space<hbm>>
    tpu.enqueue_dma source(%arg4 : memref<8x2048xf32, #tpu.memory_space<vmem>>) target(%dma_start3A_67 : memref<8x2048xf32, #tpu.memory_space<hbm>>) target_semaphore(%arg6 : memref<!tpu.dma_semaphore, #tpu.memory_space<semaphore_mem>>)
    %mul3A_68 = arith.constant 8 : i32
    %mul3A_69 = arith.muli %mul3A_68, %select_n3A_48 : i32
    %dma_start3A_70 = arith.constant 2 : i32
    %dma_start3A_71 = arith.constant 0 : i32
    %dma_start3A_72 = tpu.memref_slice %arg3[%dma_start3A_70, %select_n3A_27, %mul3A_69, %dma_start3A_71] : memref<11x11x64x2048xf32, #tpu.memory_space<hbm>> -> memref<1x1x8x2048xf32, #tpu.memory_space<hbm>>
    %dma_start3A_73 = tpu.memref_squeeze %dma_start3A_72 : memref<1x1x8x2048xf32, #tpu.memory_space<hbm>> -> memref<8x2048xf32, #tpu.memory_space<hbm>>
    %dma_start3A_74 = arith.constant 0 : i32
    %dma_start3A_75 = tpu.memref_slice %arg3[%dma_start3A_70, %select_n3A_27, %mul3A_69, %dma_start3A_74] : memref<11x11x64x2048xf32, #tpu.memory_space<hbm>> -> memref<1x1x8x2048xf32, #tpu.memory_space<hbm>>
    %dma_start3A_76 = tpu.memref_squeeze %dma_start3A_75 : memref<1x1x8x2048xf32, #tpu.memory_space<hbm>> -> memref<8x2048xf32, #tpu.memory_space<hbm>>
    tpu.enqueue_dma source(%arg4 : memref<8x2048xf32, #tpu.memory_space<vmem>>) target(%dma_start3A_76 : memref<8x2048xf32, #tpu.memory_space<hbm>>) target_semaphore(%arg6 : memref<!tpu.dma_semaphore, #tpu.memory_space<semaphore_mem>>)
    %mul3A_77 = arith.constant 8 : i32
    %mul3A_78 = arith.muli %mul3A_77, %select_n3A_48 : i32
    %dma_start3A_79 = arith.constant 3 : i32
    %dma_start3A_80 = arith.constant 0 : i32
    %dma_start3A_81 = tpu.memref_slice %arg3[%dma_start3A_79, %select_n3A_27, %mul3A_78, %dma_start3A_80] : memref<11x11x64x2048xf32, #tpu.memory_space<hbm>> -> memref<1x1x8x2048xf32, #tpu.memory_space<hbm>>
    %dma_start3A_82 = tpu.memref_squeeze %dma_start3A_81 : memref<1x1x8x2048xf32, #tpu.memory_space<hbm>> -> memref<8x2048xf32, #tpu.memory_space<hbm>>
    %dma_start3A_83 = arith.constant 0 : i32
    %dma_start3A_84 = tpu.memref_slice %arg3[%dma_start3A_79, %select_n3A_27, %mul3A_78, %dma_start3A_83] : memref<11x11x64x2048xf32, #tpu.memory_space<hbm>> -> memref<1x1x8x2048xf32, #tpu.memory_space<hbm>>
    %dma_start3A_85 = tpu.memref_squeeze %dma_start3A_84 : memref<1x1x8x2048xf32, #tpu.memory_space<hbm>> -> memref<8x2048xf32, #tpu.memory_space<hbm>>
    tpu.enqueue_dma source(%arg4 : memref<8x2048xf32, #tpu.memory_space<vmem>>) target(%dma_start3A_85 : memref<8x2048xf32, #tpu.memory_space<hbm>>) target_semaphore(%arg6 : memref<!tpu.dma_semaphore, #tpu.memory_space<semaphore_mem>>)
    %mul3A_86 = arith.constant 8 : i32
    %mul3A_87 = arith.muli %mul3A_86, %select_n3A_48 : i32
    %dma_start3A_88 = arith.constant 4 : i32
    %dma_start3A_89 = arith.constant 0 : i32
    %dma_start3A_90 = tpu.memref_slice %arg3[%dma_start3A_88, %select_n3A_27, %mul3A_87, %dma_start3A_89] : memref<11x11x64x2048xf32, #tpu.memory_space<hbm>> -> memref<1x1x8x2048xf32, #tpu.memory_space<hbm>>
    %dma_start3A_91 = tpu.memref_squeeze %dma_start3A_90 : memref<1x1x8x2048xf32, #tpu.memory_space<hbm>> -> memref<8x2048xf32, #tpu.memory_space<hbm>>
    %dma_start3A_92 = arith.constant 0 : i32
    %dma_start3A_93 = tpu.memref_slice %arg3[%dma_start3A_88, %select_n3A_27, %mul3A_87, %dma_start3A_92] : memref<11x11x64x2048xf32, #tpu.memory_space<hbm>> -> memref<1x1x8x2048xf32, #tpu.memory_space<hbm>>
    %dma_start3A_94 = tpu.memref_squeeze %dma_start3A_93 : memref<1x1x8x2048xf32, #tpu.memory_space<hbm>> -> memref<8x2048xf32, #tpu.memory_space<hbm>>
    tpu.enqueue_dma source(%arg4 : memref<8x2048xf32, #tpu.memory_space<vmem>>) target(%dma_start3A_94 : memref<8x2048xf32, #tpu.memory_space<hbm>>) target_semaphore(%arg6 : memref<!tpu.dma_semaphore, #tpu.memory_space<semaphore_mem>>)
    %mul3A_95 = arith.constant 8 : i32
    %mul3A_96 = arith.muli %mul3A_95, %select_n3A_48 : i32
    %dma_start3A_97 = arith.constant 5 : i32
    %dma_start3A_98 = arith.constant 0 : i32
    %dma_start3A_99 = tpu.memref_slice %arg3[%dma_start3A_97, %select_n3A_27, %mul3A_96, %dma_start3A_98] : memref<11x11x64x2048xf32, #tpu.memory_space<hbm>> -> memref<1x1x8x2048xf32, #tpu.memory_space<hbm>>
    %dma_start3A_100 = tpu.memref_squeeze %dma_start3A_99 : memref<1x1x8x2048xf32, #tpu.memory_space<hbm>> -> memref<8x2048xf32, #tpu.memory_space<hbm>>
    %dma_start3A_101 = arith.constant 0 : i32
    %dma_start3A_102 = tpu.memref_slice %arg3[%dma_start3A_97, %select_n3A_27, %mul3A_96, %dma_start3A_101] : memref<11x11x64x2048xf32, #tpu.memory_space<hbm>> -> memref<1x1x8x2048xf32, #tpu.memory_space<hbm>>
    %dma_start3A_103 = tpu.memref_squeeze %dma_start3A_102 : memref<1x1x8x2048xf32, #tpu.memory_space<hbm>> -> memref<8x2048xf32, #tpu.memory_space<hbm>>
    tpu.enqueue_dma source(%arg4 : memref<8x2048xf32, #tpu.memory_space<vmem>>) target(%dma_start3A_103 : memref<8x2048xf32, #tpu.memory_space<hbm>>) target_semaphore(%arg6 : memref<!tpu.dma_semaphore, #tpu.memory_space<semaphore_mem>>)
    %mul3A_104 = arith.constant 8 : i32
    %mul3A_105 = arith.muli %mul3A_104, %select_n3A_48 : i32
    %dma_start3A_106 = arith.constant 6 : i32
    %dma_start3A_107 = arith.constant 0 : i32
    %dma_start3A_108 = tpu.memref_slice %arg3[%dma_start3A_106, %select_n3A_27, %mul3A_105, %dma_start3A_107] : memref<11x11x64x2048xf32, #tpu.memory_space<hbm>> -> memref<1x1x8x2048xf32, #tpu.memory_space<hbm>>
    %dma_start3A_109 = tpu.memref_squeeze %dma_start3A_108 : memref<1x1x8x2048xf32, #tpu.memory_space<hbm>> -> memref<8x2048xf32, #tpu.memory_space<hbm>>
    %dma_start3A_110 = arith.constant 0 : i32
    %dma_start3A_111 = tpu.memref_slice %arg3[%dma_start3A_106, %select_n3A_27, %mul3A_105, %dma_start3A_110] : memref<11x11x64x2048xf32, #tpu.memory_space<hbm>> -> memref<1x1x8x2048xf32, #tpu.memory_space<hbm>>
    %dma_start3A_112 = tpu.memref_squeeze %dma_start3A_111 : memref<1x1x8x2048xf32, #tpu.memory_space<hbm>> -> memref<8x2048xf32, #tpu.memory_space<hbm>>
    tpu.enqueue_dma source(%arg4 : memref<8x2048xf32, #tpu.memory_space<vmem>>) target(%dma_start3A_112 : memref<8x2048xf32, #tpu.memory_space<hbm>>) target_semaphore(%arg6 : memref<!tpu.dma_semaphore, #tpu.memory_space<semaphore_mem>>)
    %mul3A_113 = arith.constant 8 : i32
    %mul3A_114 = arith.muli %mul3A_113, %select_n3A_48 : i32
    %dma_start3A_115 = arith.constant 7 : i32
    %dma_start3A_116 = arith.constant 0 : i32
    %dma_start3A_117 = tpu.memref_slice %arg3[%dma_start3A_115, %select_n3A_27, %mul3A_114, %dma_start3A_116] : memref<11x11x64x2048xf32, #tpu.memory_space<hbm>> -> memref<1x1x8x2048xf32, #tpu.memory_space<hbm>>
    %dma_start3A_118 = tpu.memref_squeeze %dma_start3A_117 : memref<1x1x8x2048xf32, #tpu.memory_space<hbm>> -> memref<8x2048xf32, #tpu.memory_space<hbm>>
    %dma_start3A_119 = arith.constant 0 : i32
    %dma_start3A_120 = tpu.memref_slice %arg3[%dma_start3A_115, %select_n3A_27, %mul3A_114, %dma_start3A_119] : memref<11x11x64x2048xf32, #tpu.memory_space<hbm>> -> memref<1x1x8x2048xf32, #tpu.memory_space<hbm>>
    %dma_start3A_121 = tpu.memref_squeeze %dma_start3A_120 : memref<1x1x8x2048xf32, #tpu.memory_space<hbm>> -> memref<8x2048xf32, #tpu.memory_space<hbm>>
    tpu.enqueue_dma source(%arg4 : memref<8x2048xf32, #tpu.memory_space<vmem>>) target(%dma_start3A_121 : memref<8x2048xf32, #tpu.memory_space<hbm>>) target_semaphore(%arg6 : memref<!tpu.dma_semaphore, #tpu.memory_space<semaphore_mem>>)
    %mul3A_122 = arith.constant 8 : i32
    %mul3A_123 = arith.muli %mul3A_122, %select_n3A_48 : i32
    %dma_start3A_124 = arith.constant 8 : i32
    %dma_start3A_125 = arith.constant 0 : i32
    %dma_start3A_126 = tpu.memref_slice %arg3[%dma_start3A_124, %select_n3A_27, %mul3A_123, %dma_start3A_125] : memref<11x11x64x2048xf32, #tpu.memory_space<hbm>> -> memref<1x1x8x2048xf32, #tpu.memory_space<hbm>>
    %dma_start3A_127 = tpu.memref_squeeze %dma_start3A_126 : memref<1x1x8x2048xf32, #tpu.memory_space<hbm>> -> memref<8x2048xf32, #tpu.memory_space<hbm>>
    %dma_start3A_128 = arith.constant 0 : i32
    %dma_start3A_129 = tpu.memref_slice %arg3[%dma_start3A_124, %select_n3A_27, %mul3A_123, %dma_start3A_128] : memref<11x11x64x2048xf32, #tpu.memory_space<hbm>> -> memref<1x1x8x2048xf32, #tpu.memory_space<hbm>>
    %dma_start3A_130 = tpu.memref_squeeze %dma_start3A_129 : memref<1x1x8x2048xf32, #tpu.memory_space<hbm>> -> memref<8x2048xf32, #tpu.memory_space<hbm>>
    tpu.enqueue_dma source(%arg4 : memref<8x2048xf32, #tpu.memory_space<vmem>>) target(%dma_start3A_130 : memref<8x2048xf32, #tpu.memory_space<hbm>>) target_semaphore(%arg6 : memref<!tpu.dma_semaphore, #tpu.memory_space<semaphore_mem>>)
    %mul3A_131 = arith.constant 8 : i32
    %mul3A_132 = arith.muli %mul3A_131, %select_n3A_48 : i32
    %dma_start3A_133 = arith.constant 9 : i32
    %dma_start3A_134 = arith.constant 0 : i32
    %dma_start3A_135 = tpu.memref_slice %arg3[%dma_start3A_133, %select_n3A_27, %mul3A_132, %dma_start3A_134] : memref<11x11x64x2048xf32, #tpu.memory_space<hbm>> -> memref<1x1x8x2048xf32, #tpu.memory_space<hbm>>
    %dma_start3A_136 = tpu.memref_squeeze %dma_start3A_135 : memref<1x1x8x2048xf32, #tpu.memory_space<hbm>> -> memref<8x2048xf32, #tpu.memory_space<hbm>>
    %dma_start3A_137 = arith.constant 0 : i32
    %dma_start3A_138 = tpu.memref_slice %arg3[%dma_start3A_133, %select_n3A_27, %mul3A_132, %dma_start3A_137] : memref<11x11x64x2048xf32, #tpu.memory_space<hbm>> -> memref<1x1x8x2048xf32, #tpu.memory_space<hbm>>
    %dma_start3A_139 = tpu.memref_squeeze %dma_start3A_138 : memref<1x1x8x2048xf32, #tpu.memory_space<hbm>> -> memref<8x2048xf32, #tpu.memory_space<hbm>>
    tpu.enqueue_dma source(%arg4 : memref<8x2048xf32, #tpu.memory_space<vmem>>) target(%dma_start3A_139 : memref<8x2048xf32, #tpu.memory_space<hbm>>) target_semaphore(%arg6 : memref<!tpu.dma_semaphore, #tpu.memory_space<semaphore_mem>>)
    %mul3A_140 = arith.constant 8 : i32
    %mul3A_141 = arith.muli %mul3A_140, %select_n3A_48 : i32
    %dma_start3A_142 = arith.constant 10 : i32
    %dma_start3A_143 = arith.constant 0 : i32
    %dma_start3A_144 = tpu.memref_slice %arg3[%dma_start3A_142, %select_n3A_27, %mul3A_141, %dma_start3A_143] : memref<11x11x64x2048xf32, #tpu.memory_space<hbm>> -> memref<1x1x8x2048xf32, #tpu.memory_space<hbm>>
    %dma_start3A_145 = tpu.memref_squeeze %dma_start3A_144 : memref<1x1x8x2048xf32, #tpu.memory_space<hbm>> -> memref<8x2048xf32, #tpu.memory_space<hbm>>
    %dma_start3A_146 = arith.constant 0 : i32
    %dma_start3A_147 = tpu.memref_slice %arg3[%dma_start3A_142, %select_n3A_27, %mul3A_141, %dma_start3A_146] : memref<11x11x64x2048xf32, #tpu.memory_space<hbm>> -> memref<1x1x8x2048xf32, #tpu.memory_space<hbm>>
    %dma_start3A_148 = tpu.memref_squeeze %dma_start3A_147 : memref<1x1x8x2048xf32, #tpu.memory_space<hbm>> -> memref<8x2048xf32, #tpu.memory_space<hbm>>
    tpu.enqueue_dma source(%arg4 : memref<8x2048xf32, #tpu.memory_space<vmem>>) target(%dma_start3A_148 : memref<8x2048xf32, #tpu.memory_space<hbm>>) target_semaphore(%arg6 : memref<!tpu.dma_semaphore, #tpu.memory_space<semaphore_mem>>)
    %add3A_149 = arith.constant 32 : i32
    %add3A_150 = arith.addi %add3A, %add3A_149 : i32
    %jit3A_151 = arith.constant 88 : i32
    %eq3A_152 = arith.constant 0 : i32
    %eq3A_153 = arith.cmpi eq, %jit3A_151, %eq3A_152 : i32
    %jit3A_154 = arith.constant 1 : i32
    %select_n3A_155 = arith.select %eq3A_153, %jit3A_154, %jit3A_151 : i32
    %rem3A_156 = arith.remsi %add3A_150, %select_n3A_155 : i32
    %ne3A_157 = arith.constant 0 : i32
    %ne3A_158 = arith.cmpi ne, %rem3A_156, %ne3A_157 : i32
    %lt3A_159 = arith.constant 0 : i32
    %lt3A_160 = arith.cmpi slt, %rem3A_156, %lt3A_159 : i32
    %lt3A_161 = arith.constant 0 : i32
    %lt3A_162 = arith.cmpi slt, %select_n3A_155, %lt3A_161 : i32
    %ne3A_163 = arith.xori %lt3A_160, %lt3A_162 : i1
    %and3A_164 = arith.andi %ne3A_163, %ne3A_158 : i1
    %add3A_165 = arith.addi %rem3A_156, %select_n3A_155 : i32
    %select_n3A_166 = arith.select %and3A_164, %add3A_165, %rem3A_156 : i32
    %jit3A_167 = arith.constant 11 : i32
    %eq3A_168 = arith.constant 0 : i32
    %eq3A_169 = arith.cmpi eq, %jit3A_167, %eq3A_168 : i32
    %jit3A_170 = arith.constant 1 : i32
    %select_n3A_171 = arith.select %eq3A_169, %jit3A_170, %jit3A_167 : i32
    %rem3A_172 = arith.remsi %select_n3A_166, %select_n3A_171 : i32
    %ne3A_173 = arith.constant 0 : i32
    %ne3A_174 = arith.cmpi ne, %rem3A_172, %ne3A_173 : i32
    %lt3A_175 = arith.constant 0 : i32
    %lt3A_176 = arith.cmpi slt, %rem3A_172, %lt3A_175 : i32
    %lt3A_177 = arith.constant 0 : i32
    %lt3A_178 = arith.cmpi slt, %select_n3A_171, %lt3A_177 : i32
    %ne3A_179 = arith.xori %lt3A_176, %lt3A_178 : i1
    %and3A_180 = arith.andi %ne3A_179, %ne3A_174 : i1
    %add3A_181 = arith.addi %rem3A_172, %select_n3A_171 : i32
    %select_n3A_182 = arith.select %and3A_180, %add3A_181, %rem3A_172 : i32
    %jit3A_183 = arith.constant 11 : i32
    %div3A_184 = arith.divsi %select_n3A_166, %jit3A_183 : i32
    %sign3A_185 = arith.constant 0 : i32
    %sign3A_186 = arith.cmpi sgt, %select_n3A_166, %sign3A_185 : i32
    %sign3A_187 = arith.extui %sign3A_186 : i1 to i32
    %sign3A_188 = arith.constant 0 : i32
    %sign3A_189 = arith.cmpi slt, %select_n3A_166, %sign3A_188 : i32
    %sign3A_190 = arith.extui %sign3A_189 : i1 to i32
    %sign3A_191 = arith.subi %sign3A_187, %sign3A_190 : i32
    %sign3A_192 = arith.constant 0 : i32
    %sign3A_193 = arith.cmpi sgt, %jit3A_183, %sign3A_192 : i32
    %sign3A_194 = arith.extui %sign3A_193 : i1 to i32
    %sign3A_195 = arith.constant 0 : i32
    %sign3A_196 = arith.cmpi slt, %jit3A_183, %sign3A_195 : i32
    %sign3A_197 = arith.extui %sign3A_196 : i1 to i32
    %sign3A_198 = arith.subi %sign3A_194, %sign3A_197 : i32
    %ne3A_199 = arith.cmpi ne, %sign3A_191, %sign3A_198 : i32
    %rem3A_200 = arith.remsi %select_n3A_166, %jit3A_183 : i32
    %ne3A_201 = arith.constant 0 : i32
    %ne3A_202 = arith.cmpi ne, %rem3A_200, %ne3A_201 : i32
    %and3A_203 = arith.andi %ne3A_199, %ne3A_202 : i1
    %sub3A_204 = arith.constant 1 : i32
    %sub3A_205 = arith.subi %div3A_184, %sub3A_204 : i32
    %select_n3A_206 = arith.select %and3A_203, %sub3A_205, %div3A_184 : i32
    %mul3A_207 = arith.constant 8 : i32
    %mul3A_208 = arith.muli %mul3A_207, %select_n3A_206 : i32
    "tpu.region"() ({
      %run_scoped3A = tpu.sem_alloc : memref<!tpu.dma_semaphore, #tpu.memory_space<semaphore_mem>>
      %dma_start3A_697 = arith.constant 0 : i32
      %dma_start3A_698 = tpu.memref_slice %arg2[%select_n3A_182, %mul3A_208, %dma_start3A_697] : memref<16x64x2048xf32, #tpu.memory_space<hbm>> -> memref<1x8x2048xf32, #tpu.memory_space<hbm>>
      %dma_start3A_699 = tpu.memref_squeeze %dma_start3A_698 : memref<1x8x2048xf32, #tpu.memory_space<hbm>> -> memref<8x2048xf32, #tpu.memory_space<hbm>>
      %dma_start3A_700 = arith.constant 0 : i32
      %dma_start3A_701 = tpu.memref_slice %arg2[%select_n3A_182, %mul3A_208, %dma_start3A_700] : memref<16x64x2048xf32, #tpu.memory_space<hbm>> -> memref<1x8x2048xf32, #tpu.memory_space<hbm>>
      %dma_start3A_702 = tpu.memref_squeeze %dma_start3A_701 : memref<1x8x2048xf32, #tpu.memory_space<hbm>> -> memref<8x2048xf32, #tpu.memory_space<hbm>>
      tpu.enqueue_dma source(%dma_start3A_702 : memref<8x2048xf32, #tpu.memory_space<hbm>>) target(%arg5 : memref<8x2048xf32, #tpu.memory_space<vmem>>) target_semaphore(%run_scoped3A : memref<!tpu.dma_semaphore, #tpu.memory_space<semaphore_mem>>)
      %dma_wait3A_703 = arith.constant 0 : i32
      %dma_wait3A_704 = tpu.memref_slice %arg2[%select_n3A_182, %mul3A_208, %dma_wait3A_703] : memref<16x64x2048xf32, #tpu.memory_space<hbm>> -> memref<1x8x2048xf32, #tpu.memory_space<hbm>>
      %dma_wait3A_705 = tpu.memref_squeeze %dma_wait3A_704 : memref<1x8x2048xf32, #tpu.memory_space<hbm>> -> memref<8x2048xf32, #tpu.memory_space<hbm>>
      %dma_wait3A_706 = arith.constant 0 : i32
      %dma_wait3A_707 = tpu.memref_slice %arg2[%select_n3A_182, %mul3A_208, %dma_wait3A_706] : memref<16x64x2048xf32, #tpu.memory_space<hbm>> -> memref<1x8x2048xf32, #tpu.memory_space<hbm>>
      %dma_wait3A_708 = tpu.memref_squeeze %dma_wait3A_707 : memref<1x8x2048xf32, #tpu.memory_space<hbm>> -> memref<8x2048xf32, #tpu.memory_space<hbm>>
      tpu.wait_dma2 semaphore(%run_scoped3A : memref<!tpu.dma_semaphore, #tpu.memory_space<semaphore_mem>>) src(%dma_wait3A_708 : memref<8x2048xf32, #tpu.memory_space<hbm>>) dst(%arg5 : memref<8x2048xf32, #tpu.memory_space<vmem>>)
      tpu.yield
    }) : () -> ()
    %mul3A_209 = arith.constant 8 : i32
    %mul3A_210 = arith.muli %mul3A_209, %select_n3A_206 : i32
    %dma_start3A_211 = arith.constant 0 : i32
    %dma_start3A_212 = arith.constant 0 : i32
    %dma_start3A_213 = tpu.memref_slice %arg3[%dma_start3A_211, %select_n3A_182, %mul3A_210, %dma_start3A_212] : memref<11x11x64x2048xf32, #tpu.memory_space<hbm>> -> memref<1x1x8x2048xf32, #tpu.memory_space<hbm>>
    %dma_start3A_214 = tpu.memref_squeeze %dma_start3A_213 : memref<1x1x8x2048xf32, #tpu.memory_space<hbm>> -> memref<8x2048xf32, #tpu.memory_space<hbm>>
    %dma_start3A_215 = arith.constant 0 : i32
    %dma_start3A_216 = tpu.memref_slice %arg3[%dma_start3A_211, %select_n3A_182, %mul3A_210, %dma_start3A_215] : memref<11x11x64x2048xf32, #tpu.memory_space<hbm>> -> memref<1x1x8x2048xf32, #tpu.memory_space<hbm>>
    %dma_start3A_217 = tpu.memref_squeeze %dma_start3A_216 : memref<1x1x8x2048xf32, #tpu.memory_space<hbm>> -> memref<8x2048xf32, #tpu.memory_space<hbm>>
    tpu.enqueue_dma source(%arg5 : memref<8x2048xf32, #tpu.memory_space<vmem>>) target(%dma_start3A_217 : memref<8x2048xf32, #tpu.memory_space<hbm>>) target_semaphore(%arg7 : memref<!tpu.dma_semaphore, #tpu.memory_space<semaphore_mem>>)
    %mul3A_218 = arith.constant 8 : i32
    %mul3A_219 = arith.muli %mul3A_218, %select_n3A_206 : i32
    %dma_start3A_220 = arith.constant 1 : i32
    %dma_start3A_221 = arith.constant 0 : i32
    %dma_start3A_222 = tpu.memref_slice %arg3[%dma_start3A_220, %select_n3A_182, %mul3A_219, %dma_start3A_221] : memref<11x11x64x2048xf32, #tpu.memory_space<hbm>> -> memref<1x1x8x2048xf32, #tpu.memory_space<hbm>>
    %dma_start3A_223 = tpu.memref_squeeze %dma_start3A_222 : memref<1x1x8x2048xf32, #tpu.memory_space<hbm>> -> memref<8x2048xf32, #tpu.memory_space<hbm>>
    %dma_start3A_224 = arith.constant 0 : i32
    %dma_start3A_225 = tpu.memref_slice %arg3[%dma_start3A_220, %select_n3A_182, %mul3A_219, %dma_start3A_224] : memref<11x11x64x2048xf32, #tpu.memory_space<hbm>> -> memref<1x1x8x2048xf32, #tpu.memory_space<hbm>>
    %dma_start3A_226 = tpu.memref_squeeze %dma_start3A_225 : memref<1x1x8x2048xf32, #tpu.memory_space<hbm>> -> memref<8x2048xf32, #tpu.memory_space<hbm>>
    tpu.enqueue_dma source(%arg5 : memref<8x2048xf32, #tpu.memory_space<vmem>>) target(%dma_start3A_226 : memref<8x2048xf32, #tpu.memory_space<hbm>>) target_semaphore(%arg7 : memref<!tpu.dma_semaphore, #tpu.memory_space<semaphore_mem>>)
    %mul3A_227 = arith.constant 8 : i32
    %mul3A_228 = arith.muli %mul3A_227, %select_n3A_206 : i32
    %dma_start3A_229 = arith.constant 2 : i32
    %dma_start3A_230 = arith.constant 0 : i32
    %dma_start3A_231 = tpu.memref_slice %arg3[%dma_start3A_229, %select_n3A_182, %mul3A_228, %dma_start3A_230] : memref<11x11x64x2048xf32, #tpu.memory_space<hbm>> -> memref<1x1x8x2048xf32, #tpu.memory_space<hbm>>
    %dma_start3A_232 = tpu.memref_squeeze %dma_start3A_231 : memref<1x1x8x2048xf32, #tpu.memory_space<hbm>> -> memref<8x2048xf32, #tpu.memory_space<hbm>>
    %dma_start3A_233 = arith.constant 0 : i32
    %dma_start3A_234 = tpu.memref_slice %arg3[%dma_start3A_229, %select_n3A_182, %mul3A_228, %dma_start3A_233] : memref<11x11x64x2048xf32, #tpu.memory_space<hbm>> -> memref<1x1x8x2048xf32, #tpu.memory_space<hbm>>
    %dma_start3A_235 = tpu.memref_squeeze %dma_start3A_234 : memref<1x1x8x2048xf32, #tpu.memory_space<hbm>> -> memref<8x2048xf32, #tpu.memory_space<hbm>>
    tpu.enqueue_dma source(%arg5 : memref<8x2048xf32, #tpu.memory_space<vmem>>) target(%dma_start3A_235 : memref<8x2048xf32, #tpu.memory_space<hbm>>) target_semaphore(%arg7 : memref<!tpu.dma_semaphore, #tpu.memory_space<semaphore_mem>>)
    %mul3A_236 = arith.constant 8 : i32
    %mul3A_237 = arith.muli %mul3A_236, %select_n3A_206 : i32
    %dma_start3A_238 = arith.constant 3 : i32
    %dma_start3A_239 = arith.constant 0 : i32
    %dma_start3A_240 = tpu.memref_slice %arg3[%dma_start3A_238, %select_n3A_182, %mul3A_237, %dma_start3A_239] : memref<11x11x64x2048xf32, #tpu.memory_space<hbm>> -> memref<1x1x8x2048xf32, #tpu.memory_space<hbm>>
    %dma_start3A_241 = tpu.memref_squeeze %dma_start3A_240 : memref<1x1x8x2048xf32, #tpu.memory_space<hbm>> -> memref<8x2048xf32, #tpu.memory_space<hbm>>
    %dma_start3A_242 = arith.constant 0 : i32
    %dma_start3A_243 = tpu.memref_slice %arg3[%dma_start3A_238, %select_n3A_182, %mul3A_237, %dma_start3A_242] : memref<11x11x64x2048xf32, #tpu.memory_space<hbm>> -> memref<1x1x8x2048xf32, #tpu.memory_space<hbm>>
    %dma_start3A_244 = tpu.memref_squeeze %dma_start3A_243 : memref<1x1x8x2048xf32, #tpu.memory_space<hbm>> -> memref<8x2048xf32, #tpu.memory_space<hbm>>
    tpu.enqueue_dma source(%arg5 : memref<8x2048xf32, #tpu.memory_space<vmem>>) target(%dma_start3A_244 : memref<8x2048xf32, #tpu.memory_space<hbm>>) target_semaphore(%arg7 : memref<!tpu.dma_semaphore, #tpu.memory_space<semaphore_mem>>)
    %mul3A_245 = arith.constant 8 : i32
    %mul3A_246 = arith.muli %mul3A_245, %select_n3A_206 : i32
    %dma_start3A_247 = arith.constant 4 : i32
    %dma_start3A_248 = arith.constant 0 : i32
    %dma_start3A_249 = tpu.memref_slice %arg3[%dma_start3A_247, %select_n3A_182, %mul3A_246, %dma_start3A_248] : memref<11x11x64x2048xf32, #tpu.memory_space<hbm>> -> memref<1x1x8x2048xf32, #tpu.memory_space<hbm>>
    %dma_start3A_250 = tpu.memref_squeeze %dma_start3A_249 : memref<1x1x8x2048xf32, #tpu.memory_space<hbm>> -> memref<8x2048xf32, #tpu.memory_space<hbm>>
    %dma_start3A_251 = arith.constant 0 : i32
    %dma_start3A_252 = tpu.memref_slice %arg3[%dma_start3A_247, %select_n3A_182, %mul3A_246, %dma_start3A_251] : memref<11x11x64x2048xf32, #tpu.memory_space<hbm>> -> memref<1x1x8x2048xf32, #tpu.memory_space<hbm>>
    %dma_start3A_253 = tpu.memref_squeeze %dma_start3A_252 : memref<1x1x8x2048xf32, #tpu.memory_space<hbm>> -> memref<8x2048xf32, #tpu.memory_space<hbm>>
    tpu.enqueue_dma source(%arg5 : memref<8x2048xf32, #tpu.memory_space<vmem>>) target(%dma_start3A_253 : memref<8x2048xf32, #tpu.memory_space<hbm>>) target_semaphore(%arg7 : memref<!tpu.dma_semaphore, #tpu.memory_space<semaphore_mem>>)
    %mul3A_254 = arith.constant 8 : i32
    %mul3A_255 = arith.muli %mul3A_254, %select_n3A_206 : i32
    %dma_start3A_256 = arith.constant 5 : i32
    %dma_start3A_257 = arith.constant 0 : i32
    %dma_start3A_258 = tpu.memref_slice %arg3[%dma_start3A_256, %select_n3A_182, %mul3A_255, %dma_start3A_257] : memref<11x11x64x2048xf32, #tpu.memory_space<hbm>> -> memref<1x1x8x2048xf32, #tpu.memory_space<hbm>>
    %dma_start3A_259 = tpu.memref_squeeze %dma_start3A_258 : memref<1x1x8x2048xf32, #tpu.memory_space<hbm>> -> memref<8x2048xf32, #tpu.memory_space<hbm>>
    %dma_start3A_260 = arith.constant 0 : i32
    %dma_start3A_261 = tpu.memref_slice %arg3[%dma_start3A_256, %select_n3A_182, %mul3A_255, %dma_start3A_260] : memref<11x11x64x2048xf32, #tpu.memory_space<hbm>> -> memref<1x1x8x2048xf32, #tpu.memory_space<hbm>>
    %dma_start3A_262 = tpu.memref_squeeze %dma_start3A_261 : memref<1x1x8x2048xf32, #tpu.memory_space<hbm>> -> memref<8x2048xf32, #tpu.memory_space<hbm>>
    tpu.enqueue_dma source(%arg5 : memref<8x2048xf32, #tpu.memory_space<vmem>>) target(%dma_start3A_262 : memref<8x2048xf32, #tpu.memory_space<hbm>>) target_semaphore(%arg7 : memref<!tpu.dma_semaphore, #tpu.memory_space<semaphore_mem>>)
    %mul3A_263 = arith.constant 8 : i32
    %mul3A_264 = arith.muli %mul3A_263, %select_n3A_206 : i32
    %dma_start3A_265 = arith.constant 6 : i32
    %dma_start3A_266 = arith.constant 0 : i32
    %dma_start3A_267 = tpu.memref_slice %arg3[%dma_start3A_265, %select_n3A_182, %mul3A_264, %dma_start3A_266] : memref<11x11x64x2048xf32, #tpu.memory_space<hbm>> -> memref<1x1x8x2048xf32, #tpu.memory_space<hbm>>
    %dma_start3A_268 = tpu.memref_squeeze %dma_start3A_267 : memref<1x1x8x2048xf32, #tpu.memory_space<hbm>> -> memref<8x2048xf32, #tpu.memory_space<hbm>>
    %dma_start3A_269 = arith.constant 0 : i32
    %dma_start3A_270 = tpu.memref_slice %arg3[%dma_start3A_265, %select_n3A_182, %mul3A_264, %dma_start3A_269] : memref<11x11x64x2048xf32, #tpu.memory_space<hbm>> -> memref<1x1x8x2048xf32, #tpu.memory_space<hbm>>
    %dma_start3A_271 = tpu.memref_squeeze %dma_start3A_270 : memref<1x1x8x2048xf32, #tpu.memory_space<hbm>> -> memref<8x2048xf32, #tpu.memory_space<hbm>>
    tpu.enqueue_dma source(%arg5 : memref<8x2048xf32, #tpu.memory_space<vmem>>) target(%dma_start3A_271 : memref<8x2048xf32, #tpu.memory_space<hbm>>) target_semaphore(%arg7 : memref<!tpu.dma_semaphore, #tpu.memory_space<semaphore_mem>>)
    %mul3A_272 = arith.constant 8 : i32
    %mul3A_273 = arith.muli %mul3A_272, %select_n3A_206 : i32
    %dma_start3A_274 = arith.constant 7 : i32
    %dma_start3A_275 = arith.constant 0 : i32
    %dma_start3A_276 = tpu.memref_slice %arg3[%dma_start3A_274, %select_n3A_182, %mul3A_273, %dma_start3A_275] : memref<11x11x64x2048xf32, #tpu.memory_space<hbm>> -> memref<1x1x8x2048xf32, #tpu.memory_space<hbm>>
    %dma_start3A_277 = tpu.memref_squeeze %dma_start3A_276 : memref<1x1x8x2048xf32, #tpu.memory_space<hbm>> -> memref<8x2048xf32, #tpu.memory_space<hbm>>
    %dma_start3A_278 = arith.constant 0 : i32
    %dma_start3A_279 = tpu.memref_slice %arg3[%dma_start3A_274, %select_n3A_182, %mul3A_273, %dma_start3A_278] : memref<11x11x64x2048xf32, #tpu.memory_space<hbm>> -> memref<1x1x8x2048xf32, #tpu.memory_space<hbm>>
    %dma_start3A_280 = tpu.memref_squeeze %dma_start3A_279 : memref<1x1x8x2048xf32, #tpu.memory_space<hbm>> -> memref<8x2048xf32, #tpu.memory_space<hbm>>
    tpu.enqueue_dma source(%arg5 : memref<8x2048xf32, #tpu.memory_space<vmem>>) target(%dma_start3A_280 : memref<8x2048xf32, #tpu.memory_space<hbm>>) target_semaphore(%arg7 : memref<!tpu.dma_semaphore, #tpu.memory_space<semaphore_mem>>)
    %mul3A_281 = arith.constant 8 : i32
    %mul3A_282 = arith.muli %mul3A_281, %select_n3A_206 : i32
    %dma_start3A_283 = arith.constant 8 : i32
    %dma_start3A_284 = arith.constant 0 : i32
    %dma_start3A_285 = tpu.memref_slice %arg3[%dma_start3A_283, %select_n3A_182, %mul3A_282, %dma_start3A_284] : memref<11x11x64x2048xf32, #tpu.memory_space<hbm>> -> memref<1x1x8x2048xf32, #tpu.memory_space<hbm>>
    %dma_start3A_286 = tpu.memref_squeeze %dma_start3A_285 : memref<1x1x8x2048xf32, #tpu.memory_space<hbm>> -> memref<8x2048xf32, #tpu.memory_space<hbm>>
    %dma_start3A_287 = arith.constant 0 : i32
    %dma_start3A_288 = tpu.memref_slice %arg3[%dma_start3A_283, %select_n3A_182, %mul3A_282, %dma_start3A_287] : memref<11x11x64x2048xf32, #tpu.memory_space<hbm>> -> memref<1x1x8x2048xf32, #tpu.memory_space<hbm>>
    %dma_start3A_289 = tpu.memref_squeeze %dma_start3A_288 : memref<1x1x8x2048xf32, #tpu.memory_space<hbm>> -> memref<8x2048xf32, #tpu.memory_space<hbm>>
    tpu.enqueue_dma source(%arg5 : memref<8x2048xf32, #tpu.memory_space<vmem>>) target(%dma_start3A_289 : memref<8x2048xf32, #tpu.memory_space<hbm>>) target_semaphore(%arg7 : memref<!tpu.dma_semaphore, #tpu.memory_space<semaphore_mem>>)
    %mul3A_290 = arith.constant 8 : i32
    %mul3A_291 = arith.muli %mul3A_290, %select_n3A_206 : i32
    %dma_start3A_292 = arith.constant 9 : i32
    %dma_start3A_293 = arith.constant 0 : i32
    %dma_start3A_294 = tpu.memref_slice %arg3[%dma_start3A_292, %select_n3A_182, %mul3A_291, %dma_start3A_293] : memref<11x11x64x2048xf32, #tpu.memory_space<hbm>> -> memref<1x1x8x2048xf32, #tpu.memory_space<hbm>>
    %dma_start3A_295 = tpu.memref_squeeze %dma_start3A_294 : memref<1x1x8x2048xf32, #tpu.memory_space<hbm>> -> memref<8x2048xf32, #tpu.memory_space<hbm>>
    %dma_start3A_296 = arith.constant 0 : i32
    %dma_start3A_297 = tpu.memref_slice %arg3[%dma_start3A_292, %select_n3A_182, %mul3A_291, %dma_start3A_296] : memref<11x11x64x2048xf32, #tpu.memory_space<hbm>> -> memref<1x1x8x2048xf32, #tpu.memory_space<hbm>>
    %dma_start3A_298 = tpu.memref_squeeze %dma_start3A_297 : memref<1x1x8x2048xf32, #tpu.memory_space<hbm>> -> memref<8x2048xf32, #tpu.memory_space<hbm>>
    tpu.enqueue_dma source(%arg5 : memref<8x2048xf32, #tpu.memory_space<vmem>>) target(%dma_start3A_298 : memref<8x2048xf32, #tpu.memory_space<hbm>>) target_semaphore(%arg7 : memref<!tpu.dma_semaphore, #tpu.memory_space<semaphore_mem>>)
    %mul3A_299 = arith.constant 8 : i32
    %mul3A_300 = arith.muli %mul3A_299, %select_n3A_206 : i32
    %dma_start3A_301 = arith.constant 10 : i32
    %dma_start3A_302 = arith.constant 0 : i32
    %dma_start3A_303 = tpu.memref_slice %arg3[%dma_start3A_301, %select_n3A_182, %mul3A_300, %dma_start3A_302] : memref<11x11x64x2048xf32, #tpu.memory_space<hbm>> -> memref<1x1x8x2048xf32, #tpu.memory_space<hbm>>
    %dma_start3A_304 = tpu.memref_squeeze %dma_start3A_303 : memref<1x1x8x2048xf32, #tpu.memory_space<hbm>> -> memref<8x2048xf32, #tpu.memory_space<hbm>>
    %dma_start3A_305 = arith.constant 0 : i32
    %dma_start3A_306 = tpu.memref_slice %arg3[%dma_start3A_301, %select_n3A_182, %mul3A_300, %dma_start3A_305] : memref<11x11x64x2048xf32, #tpu.memory_space<hbm>> -> memref<1x1x8x2048xf32, #tpu.memory_space<hbm>>
    %dma_start3A_307 = tpu.memref_squeeze %dma_start3A_306 : memref<1x1x8x2048xf32, #tpu.memory_space<hbm>> -> memref<8x2048xf32, #tpu.memory_space<hbm>>
    tpu.enqueue_dma source(%arg5 : memref<8x2048xf32, #tpu.memory_space<vmem>>) target(%dma_start3A_307 : memref<8x2048xf32, #tpu.memory_space<hbm>>) target_semaphore(%arg7 : memref<!tpu.dma_semaphore, #tpu.memory_space<semaphore_mem>>)
    %add3A_308 = arith.constant 64 : i32
    %add3A_309 = arith.addi %add3A, %add3A_308 : i32
    %jit3A_310 = arith.constant 88 : i32
    %eq3A_311 = arith.constant 0 : i32
    %eq3A_312 = arith.cmpi eq, %jit3A_310, %eq3A_311 : i32
    %jit3A_313 = arith.constant 1 : i32
    %select_n3A_314 = arith.select %eq3A_312, %jit3A_313, %jit3A_310 : i32
    %rem3A_315 = arith.remsi %add3A_309, %select_n3A_314 : i32
    %ne3A_316 = arith.constant 0 : i32
    %ne3A_317 = arith.cmpi ne, %rem3A_315, %ne3A_316 : i32
    %lt3A_318 = arith.constant 0 : i32
    %lt3A_319 = arith.cmpi slt, %rem3A_315, %lt3A_318 : i32
    %lt3A_320 = arith.constant 0 : i32
    %lt3A_321 = arith.cmpi slt, %select_n3A_314, %lt3A_320 : i32
    %ne3A_322 = arith.xori %lt3A_319, %lt3A_321 : i1
    %and3A_323 = arith.andi %ne3A_322, %ne3A_317 : i1
    %add3A_324 = arith.addi %rem3A_315, %select_n3A_314 : i32
    %select_n3A_325 = arith.select %and3A_323, %add3A_324, %rem3A_315 : i32
    %jit3A_326 = arith.constant 11 : i32
    %eq3A_327 = arith.constant 0 : i32
    %eq3A_328 = arith.cmpi eq, %jit3A_326, %eq3A_327 : i32
    %jit3A_329 = arith.constant 1 : i32
    %select_n3A_330 = arith.select %eq3A_328, %jit3A_329, %jit3A_326 : i32
    %rem3A_331 = arith.remsi %select_n3A_325, %select_n3A_330 : i32
    %ne3A_332 = arith.constant 0 : i32
    %ne3A_333 = arith.cmpi ne, %rem3A_331, %ne3A_332 : i32
    %lt3A_334 = arith.constant 0 : i32
    %lt3A_335 = arith.cmpi slt, %rem3A_331, %lt3A_334 : i32
    %lt3A_336 = arith.constant 0 : i32
    %lt3A_337 = arith.cmpi slt, %select_n3A_330, %lt3A_336 : i32
    %ne3A_338 = arith.xori %lt3A_335, %lt3A_337 : i1
    %and3A_339 = arith.andi %ne3A_338, %ne3A_333 : i1
    %add3A_340 = arith.addi %rem3A_331, %select_n3A_330 : i32
    %select_n3A_341 = arith.select %and3A_339, %add3A_340, %rem3A_331 : i32
    %jit3A_342 = arith.constant 11 : i32
    %div3A_343 = arith.divsi %select_n3A_325, %jit3A_342 : i32
    %sign3A_344 = arith.constant 0 : i32
    %sign3A_345 = arith.cmpi sgt, %select_n3A_325, %sign3A_344 : i32
    %sign3A_346 = arith.extui %sign3A_345 : i1 to i32
    %sign3A_347 = arith.constant 0 : i32
    %sign3A_348 = arith.cmpi slt, %select_n3A_325, %sign3A_347 : i32
    %sign3A_349 = arith.extui %sign3A_348 : i1 to i32
    %sign3A_350 = arith.subi %sign3A_346, %sign3A_349 : i32
    %sign3A_351 = arith.constant 0 : i32
    %sign3A_352 = arith.cmpi sgt, %jit3A_342, %sign3A_351 : i32
    %sign3A_353 = arith.extui %sign3A_352 : i1 to i32
    %sign3A_354 = arith.constant 0 : i32
    %sign3A_355 = arith.cmpi slt, %jit3A_342, %sign3A_354 : i32
    %sign3A_356 = arith.extui %sign3A_355 : i1 to i32
    %sign3A_357 = arith.subi %sign3A_353, %sign3A_356 : i32
    %ne3A_358 = arith.cmpi ne, %sign3A_350, %sign3A_357 : i32
    %rem3A_359 = arith.remsi %select_n3A_325, %jit3A_342 : i32
    %ne3A_360 = arith.constant 0 : i32
    %ne3A_361 = arith.cmpi ne, %rem3A_359, %ne3A_360 : i32
    %and3A_362 = arith.andi %ne3A_358, %ne3A_361 : i1
    %sub3A_363 = arith.constant 1 : i32
    %sub3A_364 = arith.subi %div3A_343, %sub3A_363 : i32
    %select_n3A_365 = arith.select %and3A_362, %sub3A_364, %div3A_343 : i32
    %dma_wait3A = arith.constant 0 : i32
    %dma_wait3A_366 = arith.constant 0 : i32
    %dma_wait3A_367 = tpu.memref_slice %arg3[%dma_wait3A, %select_n3A_27, %mul3A_52, %dma_wait3A_366] : memref<11x11x64x2048xf32, #tpu.memory_space<hbm>> -> memref<1x1x8x2048xf32, #tpu.memory_space<hbm>>
    %dma_wait3A_368 = tpu.memref_squeeze %dma_wait3A_367 : memref<1x1x8x2048xf32, #tpu.memory_space<hbm>> -> memref<8x2048xf32, #tpu.memory_space<hbm>>
    %dma_wait3A_369 = arith.constant 0 : i32
    %dma_wait3A_370 = tpu.memref_slice %arg3[%dma_wait3A, %select_n3A_27, %mul3A_52, %dma_wait3A_369] : memref<11x11x64x2048xf32, #tpu.memory_space<hbm>> -> memref<1x1x8x2048xf32, #tpu.memory_space<hbm>>
    %dma_wait3A_371 = tpu.memref_squeeze %dma_wait3A_370 : memref<1x1x8x2048xf32, #tpu.memory_space<hbm>> -> memref<8x2048xf32, #tpu.memory_space<hbm>>
    tpu.wait_dma2 semaphore(%arg6 : memref<!tpu.dma_semaphore, #tpu.memory_space<semaphore_mem>>) src(%arg4 : memref<8x2048xf32, #tpu.memory_space<vmem>>) dst(%dma_wait3A_371 : memref<8x2048xf32, #tpu.memory_space<hbm>>)
    %dma_wait3A_372 = arith.constant 1 : i32
    %dma_wait3A_373 = arith.constant 0 : i32
    %dma_wait3A_374 = tpu.memref_slice %arg3[%dma_wait3A_372, %select_n3A_27, %mul3A_60, %dma_wait3A_373] : memref<11x11x64x2048xf32, #tpu.memory_space<hbm>> -> memref<1x1x8x2048xf32, #tpu.memory_space<hbm>>
    %dma_wait3A_375 = tpu.memref_squeeze %dma_wait3A_374 : memref<1x1x8x2048xf32, #tpu.memory_space<hbm>> -> memref<8x2048xf32, #tpu.memory_space<hbm>>
    %dma_wait3A_376 = arith.constant 0 : i32
    %dma_wait3A_377 = tpu.memref_slice %arg3[%dma_wait3A_372, %select_n3A_27, %mul3A_60, %dma_wait3A_376] : memref<11x11x64x2048xf32, #tpu.memory_space<hbm>> -> memref<1x1x8x2048xf32, #tpu.memory_space<hbm>>
    %dma_wait3A_378 = tpu.memref_squeeze %dma_wait3A_377 : memref<1x1x8x2048xf32, #tpu.memory_space<hbm>> -> memref<8x2048xf32, #tpu.memory_space<hbm>>
    tpu.wait_dma2 semaphore(%arg6 : memref<!tpu.dma_semaphore, #tpu.memory_space<semaphore_mem>>) src(%arg4 : memref<8x2048xf32, #tpu.memory_space<vmem>>) dst(%dma_wait3A_378 : memref<8x2048xf32, #tpu.memory_space<hbm>>)
    %dma_wait3A_379 = arith.constant 2 : i32
    %dma_wait3A_380 = arith.constant 0 : i32
    %dma_wait3A_381 = tpu.memref_slice %arg3[%dma_wait3A_379, %select_n3A_27, %mul3A_69, %dma_wait3A_380] : memref<11x11x64x2048xf32, #tpu.memory_space<hbm>> -> memref<1x1x8x2048xf32, #tpu.memory_space<hbm>>
    %dma_wait3A_382 = tpu.memref_squeeze %dma_wait3A_381 : memref<1x1x8x2048xf32, #tpu.memory_space<hbm>> -> memref<8x2048xf32, #tpu.memory_space<hbm>>
    %dma_wait3A_383 = arith.constant 0 : i32
    %dma_wait3A_384 = tpu.memref_slice %arg3[%dma_wait3A_379, %select_n3A_27, %mul3A_69, %dma_wait3A_383] : memref<11x11x64x2048xf32, #tpu.memory_space<hbm>> -> memref<1x1x8x2048xf32, #tpu.memory_space<hbm>>
    %dma_wait3A_385 = tpu.memref_squeeze %dma_wait3A_384 : memref<1x1x8x2048xf32, #tpu.memory_space<hbm>> -> memref<8x2048xf32, #tpu.memory_space<hbm>>
    tpu.wait_dma2 semaphore(%arg6 : memref<!tpu.dma_semaphore, #tpu.memory_space<semaphore_mem>>) src(%arg4 : memref<8x2048xf32, #tpu.memory_space<vmem>>) dst(%dma_wait3A_385 : memref<8x2048xf32, #tpu.memory_space<hbm>>)
    %dma_wait3A_386 = arith.constant 3 : i32
    %dma_wait3A_387 = arith.constant 0 : i32
    %dma_wait3A_388 = tpu.memref_slice %arg3[%dma_wait3A_386, %select_n3A_27, %mul3A_78, %dma_wait3A_387] : memref<11x11x64x2048xf32, #tpu.memory_space<hbm>> -> memref<1x1x8x2048xf32, #tpu.memory_space<hbm>>
    %dma_wait3A_389 = tpu.memref_squeeze %dma_wait3A_388 : memref<1x1x8x2048xf32, #tpu.memory_space<hbm>> -> memref<8x2048xf32, #tpu.memory_space<hbm>>
    %dma_wait3A_390 = arith.constant 0 : i32
    %dma_wait3A_391 = tpu.memref_slice %arg3[%dma_wait3A_386, %select_n3A_27, %mul3A_78, %dma_wait3A_390] : memref<11x11x64x2048xf32, #tpu.memory_space<hbm>> -> memref<1x1x8x2048xf32, #tpu.memory_space<hbm>>
    %dma_wait3A_392 = tpu.memref_squeeze %dma_wait3A_391 : memref<1x1x8x2048xf32, #tpu.memory_space<hbm>> -> memref<8x2048xf32, #tpu.memory_space<hbm>>
    tpu.wait_dma2 semaphore(%arg6 : memref<!tpu.dma_semaphore, #tpu.memory_space<semaphore_mem>>) src(%arg4 : memref<8x2048xf32, #tpu.memory_space<vmem>>) dst(%dma_wait3A_392 : memref<8x2048xf32, #tpu.memory_space<hbm>>)
    %dma_wait3A_393 = arith.constant 4 : i32
    %dma_wait3A_394 = arith.constant 0 : i32
    %dma_wait3A_395 = tpu.memref_slice %arg3[%dma_wait3A_393, %select_n3A_27, %mul3A_87, %dma_wait3A_394] : memref<11x11x64x2048xf32, #tpu.memory_space<hbm>> -> memref<1x1x8x2048xf32, #tpu.memory_space<hbm>>
    %dma_wait3A_396 = tpu.memref_squeeze %dma_wait3A_395 : memref<1x1x8x2048xf32, #tpu.memory_space<hbm>> -> memref<8x2048xf32, #tpu.memory_space<hbm>>
    %dma_wait3A_397 = arith.constant 0 : i32
    %dma_wait3A_398 = tpu.memref_slice %arg3[%dma_wait3A_393, %select_n3A_27, %mul3A_87, %dma_wait3A_397] : memref<11x11x64x2048xf32, #tpu.memory_space<hbm>> -> memref<1x1x8x2048xf32, #tpu.memory_space<hbm>>
    %dma_wait3A_399 = tpu.memref_squeeze %dma_wait3A_398 : memref<1x1x8x2048xf32, #tpu.memory_space<hbm>> -> memref<8x2048xf32, #tpu.memory_space<hbm>>
    tpu.wait_dma2 semaphore(%arg6 : memref<!tpu.dma_semaphore, #tpu.memory_space<semaphore_mem>>) src(%arg4 : memref<8x2048xf32, #tpu.memory_space<vmem>>) dst(%dma_wait3A_399 : memref<8x2048xf32, #tpu.memory_space<hbm>>)
    %dma_wait3A_400 = arith.constant 5 : i32
    %dma_wait3A_401 = arith.constant 0 : i32
    %dma_wait3A_402 = tpu.memref_slice %arg3[%dma_wait3A_400, %select_n3A_27, %mul3A_96, %dma_wait3A_401] : memref<11x11x64x2048xf32, #tpu.memory_space<hbm>> -> memref<1x1x8x2048xf32, #tpu.memory_space<hbm>>
    %dma_wait3A_403 = tpu.memref_squeeze %dma_wait3A_402 : memref<1x1x8x2048xf32, #tpu.memory_space<hbm>> -> memref<8x2048xf32, #tpu.memory_space<hbm>>
    %dma_wait3A_404 = arith.constant 0 : i32
    %dma_wait3A_405 = tpu.memref_slice %arg3[%dma_wait3A_400, %select_n3A_27, %mul3A_96, %dma_wait3A_404] : memref<11x11x64x2048xf32, #tpu.memory_space<hbm>> -> memref<1x1x8x2048xf32, #tpu.memory_space<hbm>>
    %dma_wait3A_406 = tpu.memref_squeeze %dma_wait3A_405 : memref<1x1x8x2048xf32, #tpu.memory_space<hbm>> -> memref<8x2048xf32, #tpu.memory_space<hbm>>
    tpu.wait_dma2 semaphore(%arg6 : memref<!tpu.dma_semaphore, #tpu.memory_space<semaphore_mem>>) src(%arg4 : memref<8x2048xf32, #tpu.memory_space<vmem>>) dst(%dma_wait3A_406 : memref<8x2048xf32, #tpu.memory_space<hbm>>)
    %dma_wait3A_407 = arith.constant 6 : i32
    %dma_wait3A_408 = arith.constant 0 : i32
    %dma_wait3A_409 = tpu.memref_slice %arg3[%dma_wait3A_407, %select_n3A_27, %mul3A_105, %dma_wait3A_408] : memref<11x11x64x2048xf32, #tpu.memory_space<hbm>> -> memref<1x1x8x2048xf32, #tpu.memory_space<hbm>>
    %dma_wait3A_410 = tpu.memref_squeeze %dma_wait3A_409 : memref<1x1x8x2048xf32, #tpu.memory_space<hbm>> -> memref<8x2048xf32, #tpu.memory_space<hbm>>
    %dma_wait3A_411 = arith.constant 0 : i32
    %dma_wait3A_412 = tpu.memref_slice %arg3[%dma_wait3A_407, %select_n3A_27, %mul3A_105, %dma_wait3A_411] : memref<11x11x64x2048xf32, #tpu.memory_space<hbm>> -> memref<1x1x8x2048xf32, #tpu.memory_space<hbm>>
    %dma_wait3A_413 = tpu.memref_squeeze %dma_wait3A_412 : memref<1x1x8x2048xf32, #tpu.memory_space<hbm>> -> memref<8x2048xf32, #tpu.memory_space<hbm>>
    tpu.wait_dma2 semaphore(%arg6 : memref<!tpu.dma_semaphore, #tpu.memory_space<semaphore_mem>>) src(%arg4 : memref<8x2048xf32, #tpu.memory_space<vmem>>) dst(%dma_wait3A_413 : memref<8x2048xf32, #tpu.memory_space<hbm>>)
    %dma_wait3A_414 = arith.constant 7 : i32
    %dma_wait3A_415 = arith.constant 0 : i32
    %dma_wait3A_416 = tpu.memref_slice %arg3[%dma_wait3A_414, %select_n3A_27, %mul3A_114, %dma_wait3A_415] : memref<11x11x64x2048xf32, #tpu.memory_space<hbm>> -> memref<1x1x8x2048xf32, #tpu.memory_space<hbm>>
    %dma_wait3A_417 = tpu.memref_squeeze %dma_wait3A_416 : memref<1x1x8x2048xf32, #tpu.memory_space<hbm>> -> memref<8x2048xf32, #tpu.memory_space<hbm>>
    %dma_wait3A_418 = arith.constant 0 : i32
    %dma_wait3A_419 = tpu.memref_slice %arg3[%dma_wait3A_414, %select_n3A_27, %mul3A_114, %dma_wait3A_418] : memref<11x11x64x2048xf32, #tpu.memory_space<hbm>> -> memref<1x1x8x2048xf32, #tpu.memory_space<hbm>>
    %dma_wait3A_420 = tpu.memref_squeeze %dma_wait3A_419 : memref<1x1x8x2048xf32, #tpu.memory_space<hbm>> -> memref<8x2048xf32, #tpu.memory_space<hbm>>
    tpu.wait_dma2 semaphore(%arg6 : memref<!tpu.dma_semaphore, #tpu.memory_space<semaphore_mem>>) src(%arg4 : memref<8x2048xf32, #tpu.memory_space<vmem>>) dst(%dma_wait3A_420 : memref<8x2048xf32, #tpu.memory_space<hbm>>)
    %dma_wait3A_421 = arith.constant 8 : i32
    %dma_wait3A_422 = arith.constant 0 : i32
    %dma_wait3A_423 = tpu.memref_slice %arg3[%dma_wait3A_421, %select_n3A_27, %mul3A_123, %dma_wait3A_422] : memref<11x11x64x2048xf32, #tpu.memory_space<hbm>> -> memref<1x1x8x2048xf32, #tpu.memory_space<hbm>>
    %dma_wait3A_424 = tpu.memref_squeeze %dma_wait3A_423 : memref<1x1x8x2048xf32, #tpu.memory_space<hbm>> -> memref<8x2048xf32, #tpu.memory_space<hbm>>
    %dma_wait3A_425 = arith.constant 0 : i32
    %dma_wait3A_426 = tpu.memref_slice %arg3[%dma_wait3A_421, %select_n3A_27, %mul3A_123, %dma_wait3A_425] : memref<11x11x64x2048xf32, #tpu.memory_space<hbm>> -> memref<1x1x8x2048xf32, #tpu.memory_space<hbm>>
    %dma_wait3A_427 = tpu.memref_squeeze %dma_wait3A_426 : memref<1x1x8x2048xf32, #tpu.memory_space<hbm>> -> memref<8x2048xf32, #tpu.memory_space<hbm>>
    tpu.wait_dma2 semaphore(%arg6 : memref<!tpu.dma_semaphore, #tpu.memory_space<semaphore_mem>>) src(%arg4 : memref<8x2048xf32, #tpu.memory_space<vmem>>) dst(%dma_wait3A_427 : memref<8x2048xf32, #tpu.memory_space<hbm>>)
    %dma_wait3A_428 = arith.constant 9 : i32
    %dma_wait3A_429 = arith.constant 0 : i32
    %dma_wait3A_430 = tpu.memref_slice %arg3[%dma_wait3A_428, %select_n3A_27, %mul3A_132, %dma_wait3A_429] : memref<11x11x64x2048xf32, #tpu.memory_space<hbm>> -> memref<1x1x8x2048xf32, #tpu.memory_space<hbm>>
    %dma_wait3A_431 = tpu.memref_squeeze %dma_wait3A_430 : memref<1x1x8x2048xf32, #tpu.memory_space<hbm>> -> memref<8x2048xf32, #tpu.memory_space<hbm>>
    %dma_wait3A_432 = arith.constant 0 : i32
    %dma_wait3A_433 = tpu.memref_slice %arg3[%dma_wait3A_428, %select_n3A_27, %mul3A_132, %dma_wait3A_432] : memref<11x11x64x2048xf32, #tpu.memory_space<hbm>> -> memref<1x1x8x2048xf32, #tpu.memory_space<hbm>>
    %dma_wait3A_434 = tpu.memref_squeeze %dma_wait3A_433 : memref<1x1x8x2048xf32, #tpu.memory_space<hbm>> -> memref<8x2048xf32, #tpu.memory_space<hbm>>
    tpu.wait_dma2 semaphore(%arg6 : memref<!tpu.dma_semaphore, #tpu.memory_space<semaphore_mem>>) src(%arg4 : memref<8x2048xf32, #tpu.memory_space<vmem>>) dst(%dma_wait3A_434 : memref<8x2048xf32, #tpu.memory_space<hbm>>)
    %dma_wait3A_435 = arith.constant 10 : i32
    %dma_wait3A_436 = arith.constant 0 : i32
    %dma_wait3A_437 = tpu.memref_slice %arg3[%dma_wait3A_435, %select_n3A_27, %mul3A_141, %dma_wait3A_436] : memref<11x11x64x2048xf32, #tpu.memory_space<hbm>> -> memref<1x1x8x2048xf32, #tpu.memory_space<hbm>>
    %dma_wait3A_438 = tpu.memref_squeeze %dma_wait3A_437 : memref<1x1x8x2048xf32, #tpu.memory_space<hbm>> -> memref<8x2048xf32, #tpu.memory_space<hbm>>
    %dma_wait3A_439 = arith.constant 0 : i32
    %dma_wait3A_440 = tpu.memref_slice %arg3[%dma_wait3A_435, %select_n3A_27, %mul3A_141, %dma_wait3A_439] : memref<11x11x64x2048xf32, #tpu.memory_space<hbm>> -> memref<1x1x8x2048xf32, #tpu.memory_space<hbm>>
    %dma_wait3A_441 = tpu.memref_squeeze %dma_wait3A_440 : memref<1x1x8x2048xf32, #tpu.memory_space<hbm>> -> memref<8x2048xf32, #tpu.memory_space<hbm>>
    tpu.wait_dma2 semaphore(%arg6 : memref<!tpu.dma_semaphore, #tpu.memory_space<semaphore_mem>>) src(%arg4 : memref<8x2048xf32, #tpu.memory_space<vmem>>) dst(%dma_wait3A_441 : memref<8x2048xf32, #tpu.memory_space<hbm>>)
    %mul3A_442 = arith.constant 8 : i32
    %mul3A_443 = arith.muli %mul3A_442, %select_n3A_365 : i32
    "tpu.region"() ({
      %run_scoped3A = tpu.sem_alloc : memref<!tpu.dma_semaphore, #tpu.memory_space<semaphore_mem>>
      %dma_start3A_697 = arith.constant 0 : i32
      %dma_start3A_698 = tpu.memref_slice %arg2[%select_n3A_341, %mul3A_443, %dma_start3A_697] : memref<16x64x2048xf32, #tpu.memory_space<hbm>> -> memref<1x8x2048xf32, #tpu.memory_space<hbm>>
      %dma_start3A_699 = tpu.memref_squeeze %dma_start3A_698 : memref<1x8x2048xf32, #tpu.memory_space<hbm>> -> memref<8x2048xf32, #tpu.memory_space<hbm>>
      %dma_start3A_700 = arith.constant 0 : i32
      %dma_start3A_701 = tpu.memref_slice %arg2[%select_n3A_341, %mul3A_443, %dma_start3A_700] : memref<16x64x2048xf32, #tpu.memory_space<hbm>> -> memref<1x8x2048xf32, #tpu.memory_space<hbm>>
      %dma_start3A_702 = tpu.memref_squeeze %dma_start3A_701 : memref<1x8x2048xf32, #tpu.memory_space<hbm>> -> memref<8x2048xf32, #tpu.memory_space<hbm>>
      tpu.enqueue_dma source(%dma_start3A_702 : memref<8x2048xf32, #tpu.memory_space<hbm>>) target(%arg4 : memref<8x2048xf32, #tpu.memory_space<vmem>>) target_semaphore(%run_scoped3A : memref<!tpu.dma_semaphore, #tpu.memory_space<semaphore_mem>>)
      %dma_wait3A_703 = arith.constant 0 : i32
      %dma_wait3A_704 = tpu.memref_slice %arg2[%select_n3A_341, %mul3A_443, %dma_wait3A_703] : memref<16x64x2048xf32, #tpu.memory_space<hbm>> -> memref<1x8x2048xf32, #tpu.memory_space<hbm>>
      %dma_wait3A_705 = tpu.memref_squeeze %dma_wait3A_704 : memref<1x8x2048xf32, #tpu.memory_space<hbm>> -> memref<8x2048xf32, #tpu.memory_space<hbm>>
      %dma_wait3A_706 = arith.constant 0 : i32
      %dma_wait3A_707 = tpu.memref_slice %arg2[%select_n3A_341, %mul3A_443, %dma_wait3A_706] : memref<16x64x2048xf32, #tpu.memory_space<hbm>> -> memref<1x8x2048xf32, #tpu.memory_space<hbm>>
      %dma_wait3A_708 = tpu.memref_squeeze %dma_wait3A_707 : memref<1x8x2048xf32, #tpu.memory_space<hbm>> -> memref<8x2048xf32, #tpu.memory_space<hbm>>
      tpu.wait_dma2 semaphore(%run_scoped3A : memref<!tpu.dma_semaphore, #tpu.memory_space<semaphore_mem>>) src(%dma_wait3A_708 : memref<8x2048xf32, #tpu.memory_space<hbm>>) dst(%arg4 : memref<8x2048xf32, #tpu.memory_space<vmem>>)
      tpu.yield
    }) : () -> ()
    %mul3A_444 = arith.constant 8 : i32
    %mul3A_445 = arith.muli %mul3A_444, %select_n3A_365 : i32
    %dma_start3A_446 = arith.constant 0 : i32
    %dma_start3A_447 = arith.constant 0 : i32
    %dma_start3A_448 = tpu.memref_slice %arg3[%dma_start3A_446, %select_n3A_341, %mul3A_445, %dma_start3A_447] : memref<11x11x64x2048xf32, #tpu.memory_space<hbm>> -> memref<1x1x8x2048xf32, #tpu.memory_space<hbm>>
    %dma_start3A_449 = tpu.memref_squeeze %dma_start3A_448 : memref<1x1x8x2048xf32, #tpu.memory_space<hbm>> -> memref<8x2048xf32, #tpu.memory_space<hbm>>
    %dma_start3A_450 = arith.constant 0 : i32
    %dma_start3A_451 = tpu.memref_slice %arg3[%dma_start3A_446, %select_n3A_341, %mul3A_445, %dma_start3A_450] : memref<11x11x64x2048xf32, #tpu.memory_space<hbm>> -> memref<1x1x8x2048xf32, #tpu.memory_space<hbm>>
    %dma_start3A_452 = tpu.memref_squeeze %dma_start3A_451 : memref<1x1x8x2048xf32, #tpu.memory_space<hbm>> -> memref<8x2048xf32, #tpu.memory_space<hbm>>
    tpu.enqueue_dma source(%arg4 : memref<8x2048xf32, #tpu.memory_space<vmem>>) target(%dma_start3A_452 : memref<8x2048xf32, #tpu.memory_space<hbm>>) target_semaphore(%arg6 : memref<!tpu.dma_semaphore, #tpu.memory_space<semaphore_mem>>)
    %mul3A_453 = arith.constant 8 : i32
    %mul3A_454 = arith.muli %mul3A_453, %select_n3A_365 : i32
    %dma_start3A_455 = arith.constant 1 : i32
    %dma_start3A_456 = arith.constant 0 : i32
    %dma_start3A_457 = tpu.memref_slice %arg3[%dma_start3A_455, %select_n3A_341, %mul3A_454, %dma_start3A_456] : memref<11x11x64x2048xf32, #tpu.memory_space<hbm>> -> memref<1x1x8x2048xf32, #tpu.memory_space<hbm>>
    %dma_start3A_458 = tpu.memref_squeeze %dma_start3A_457 : memref<1x1x8x2048xf32, #tpu.memory_space<hbm>> -> memref<8x2048xf32, #tpu.memory_space<hbm>>
    %dma_start3A_459 = arith.constant 0 : i32
    %dma_start3A_460 = tpu.memref_slice %arg3[%dma_start3A_455, %select_n3A_341, %mul3A_454, %dma_start3A_459] : memref<11x11x64x2048xf32, #tpu.memory_space<hbm>> -> memref<1x1x8x2048xf32, #tpu.memory_space<hbm>>
    %dma_start3A_461 = tpu.memref_squeeze %dma_start3A_460 : memref<1x1x8x2048xf32, #tpu.memory_space<hbm>> -> memref<8x2048xf32, #tpu.memory_space<hbm>>
    tpu.enqueue_dma source(%arg4 : memref<8x2048xf32, #tpu.memory_space<vmem>>) target(%dma_start3A_461 : memref<8x2048xf32, #tpu.memory_space<hbm>>) target_semaphore(%arg6 : memref<!tpu.dma_semaphore, #tpu.memory_space<semaphore_mem>>)
    %mul3A_462 = arith.constant 8 : i32
    %mul3A_463 = arith.muli %mul3A_462, %select_n3A_365 : i32
    %dma_start3A_464 = arith.constant 2 : i32
    %dma_start3A_465 = arith.constant 0 : i32
    %dma_start3A_466 = tpu.memref_slice %arg3[%dma_start3A_464, %select_n3A_341, %mul3A_463, %dma_start3A_465] : memref<11x11x64x2048xf32, #tpu.memory_space<hbm>> -> memref<1x1x8x2048xf32, #tpu.memory_space<hbm>>
    %dma_start3A_467 = tpu.memref_squeeze %dma_start3A_466 : memref<1x1x8x2048xf32, #tpu.memory_space<hbm>> -> memref<8x2048xf32, #tpu.memory_space<hbm>>
    %dma_start3A_468 = arith.constant 0 : i32
    %dma_start3A_469 = tpu.memref_slice %arg3[%dma_start3A_464, %select_n3A_341, %mul3A_463, %dma_start3A_468] : memref<11x11x64x2048xf32, #tpu.memory_space<hbm>> -> memref<1x1x8x2048xf32, #tpu.memory_space<hbm>>
    %dma_start3A_470 = tpu.memref_squeeze %dma_start3A_469 : memref<1x1x8x2048xf32, #tpu.memory_space<hbm>> -> memref<8x2048xf32, #tpu.memory_space<hbm>>
    tpu.enqueue_dma source(%arg4 : memref<8x2048xf32, #tpu.memory_space<vmem>>) target(%dma_start3A_470 : memref<8x2048xf32, #tpu.memory_space<hbm>>) target_semaphore(%arg6 : memref<!tpu.dma_semaphore, #tpu.memory_space<semaphore_mem>>)
    %mul3A_471 = arith.constant 8 : i32
    %mul3A_472 = arith.muli %mul3A_471, %select_n3A_365 : i32
    %dma_start3A_473 = arith.constant 3 : i32
    %dma_start3A_474 = arith.constant 0 : i32
    %dma_start3A_475 = tpu.memref_slice %arg3[%dma_start3A_473, %select_n3A_341, %mul3A_472, %dma_start3A_474] : memref<11x11x64x2048xf32, #tpu.memory_space<hbm>> -> memref<1x1x8x2048xf32, #tpu.memory_space<hbm>>
    %dma_start3A_476 = tpu.memref_squeeze %dma_start3A_475 : memref<1x1x8x2048xf32, #tpu.memory_space<hbm>> -> memref<8x2048xf32, #tpu.memory_space<hbm>>
    %dma_start3A_477 = arith.constant 0 : i32
    %dma_start3A_478 = tpu.memref_slice %arg3[%dma_start3A_473, %select_n3A_341, %mul3A_472, %dma_start3A_477] : memref<11x11x64x2048xf32, #tpu.memory_space<hbm>> -> memref<1x1x8x2048xf32, #tpu.memory_space<hbm>>
    %dma_start3A_479 = tpu.memref_squeeze %dma_start3A_478 : memref<1x1x8x2048xf32, #tpu.memory_space<hbm>> -> memref<8x2048xf32, #tpu.memory_space<hbm>>
    tpu.enqueue_dma source(%arg4 : memref<8x2048xf32, #tpu.memory_space<vmem>>) target(%dma_start3A_479 : memref<8x2048xf32, #tpu.memory_space<hbm>>) target_semaphore(%arg6 : memref<!tpu.dma_semaphore, #tpu.memory_space<semaphore_mem>>)
    %mul3A_480 = arith.constant 8 : i32
    %mul3A_481 = arith.muli %mul3A_480, %select_n3A_365 : i32
    %dma_start3A_482 = arith.constant 4 : i32
    %dma_start3A_483 = arith.constant 0 : i32
    %dma_start3A_484 = tpu.memref_slice %arg3[%dma_start3A_482, %select_n3A_341, %mul3A_481, %dma_start3A_483] : memref<11x11x64x2048xf32, #tpu.memory_space<hbm>> -> memref<1x1x8x2048xf32, #tpu.memory_space<hbm>>
    %dma_start3A_485 = tpu.memref_squeeze %dma_start3A_484 : memref<1x1x8x2048xf32, #tpu.memory_space<hbm>> -> memref<8x2048xf32, #tpu.memory_space<hbm>>
    %dma_start3A_486 = arith.constant 0 : i32
    %dma_start3A_487 = tpu.memref_slice %arg3[%dma_start3A_482, %select_n3A_341, %mul3A_481, %dma_start3A_486] : memref<11x11x64x2048xf32, #tpu.memory_space<hbm>> -> memref<1x1x8x2048xf32, #tpu.memory_space<hbm>>
    %dma_start3A_488 = tpu.memref_squeeze %dma_start3A_487 : memref<1x1x8x2048xf32, #tpu.memory_space<hbm>> -> memref<8x2048xf32, #tpu.memory_space<hbm>>
    tpu.enqueue_dma source(%arg4 : memref<8x2048xf32, #tpu.memory_space<vmem>>) target(%dma_start3A_488 : memref<8x2048xf32, #tpu.memory_space<hbm>>) target_semaphore(%arg6 : memref<!tpu.dma_semaphore, #tpu.memory_space<semaphore_mem>>)
    %mul3A_489 = arith.constant 8 : i32
    %mul3A_490 = arith.muli %mul3A_489, %select_n3A_365 : i32
    %dma_start3A_491 = arith.constant 5 : i32
    %dma_start3A_492 = arith.constant 0 : i32
    %dma_start3A_493 = tpu.memref_slice %arg3[%dma_start3A_491, %select_n3A_341, %mul3A_490, %dma_start3A_492] : memref<11x11x64x2048xf32, #tpu.memory_space<hbm>> -> memref<1x1x8x2048xf32, #tpu.memory_space<hbm>>
    %dma_start3A_494 = tpu.memref_squeeze %dma_start3A_493 : memref<1x1x8x2048xf32, #tpu.memory_space<hbm>> -> memref<8x2048xf32, #tpu.memory_space<hbm>>
    %dma_start3A_495 = arith.constant 0 : i32
    %dma_start3A_496 = tpu.memref_slice %arg3[%dma_start3A_491, %select_n3A_341, %mul3A_490, %dma_start3A_495] : memref<11x11x64x2048xf32, #tpu.memory_space<hbm>> -> memref<1x1x8x2048xf32, #tpu.memory_space<hbm>>
    %dma_start3A_497 = tpu.memref_squeeze %dma_start3A_496 : memref<1x1x8x2048xf32, #tpu.memory_space<hbm>> -> memref<8x2048xf32, #tpu.memory_space<hbm>>
    tpu.enqueue_dma source(%arg4 : memref<8x2048xf32, #tpu.memory_space<vmem>>) target(%dma_start3A_497 : memref<8x2048xf32, #tpu.memory_space<hbm>>) target_semaphore(%arg6 : memref<!tpu.dma_semaphore, #tpu.memory_space<semaphore_mem>>)
    %mul3A_498 = arith.constant 8 : i32
    %mul3A_499 = arith.muli %mul3A_498, %select_n3A_365 : i32
    %dma_start3A_500 = arith.constant 6 : i32
    %dma_start3A_501 = arith.constant 0 : i32
    %dma_start3A_502 = tpu.memref_slice %arg3[%dma_start3A_500, %select_n3A_341, %mul3A_499, %dma_start3A_501] : memref<11x11x64x2048xf32, #tpu.memory_space<hbm>> -> memref<1x1x8x2048xf32, #tpu.memory_space<hbm>>
    %dma_start3A_503 = tpu.memref_squeeze %dma_start3A_502 : memref<1x1x8x2048xf32, #tpu.memory_space<hbm>> -> memref<8x2048xf32, #tpu.memory_space<hbm>>
    %dma_start3A_504 = arith.constant 0 : i32
    %dma_start3A_505 = tpu.memref_slice %arg3[%dma_start3A_500, %select_n3A_341, %mul3A_499, %dma_start3A_504] : memref<11x11x64x2048xf32, #tpu.memory_space<hbm>> -> memref<1x1x8x2048xf32, #tpu.memory_space<hbm>>
    %dma_start3A_506 = tpu.memref_squeeze %dma_start3A_505 : memref<1x1x8x2048xf32, #tpu.memory_space<hbm>> -> memref<8x2048xf32, #tpu.memory_space<hbm>>
    tpu.enqueue_dma source(%arg4 : memref<8x2048xf32, #tpu.memory_space<vmem>>) target(%dma_start3A_506 : memref<8x2048xf32, #tpu.memory_space<hbm>>) target_semaphore(%arg6 : memref<!tpu.dma_semaphore, #tpu.memory_space<semaphore_mem>>)
    %mul3A_507 = arith.constant 8 : i32
    %mul3A_508 = arith.muli %mul3A_507, %select_n3A_365 : i32
    %dma_start3A_509 = arith.constant 7 : i32
    %dma_start3A_510 = arith.constant 0 : i32
    %dma_start3A_511 = tpu.memref_slice %arg3[%dma_start3A_509, %select_n3A_341, %mul3A_508, %dma_start3A_510] : memref<11x11x64x2048xf32, #tpu.memory_space<hbm>> -> memref<1x1x8x2048xf32, #tpu.memory_space<hbm>>
    %dma_start3A_512 = tpu.memref_squeeze %dma_start3A_511 : memref<1x1x8x2048xf32, #tpu.memory_space<hbm>> -> memref<8x2048xf32, #tpu.memory_space<hbm>>
    %dma_start3A_513 = arith.constant 0 : i32
    %dma_start3A_514 = tpu.memref_slice %arg3[%dma_start3A_509, %select_n3A_341, %mul3A_508, %dma_start3A_513] : memref<11x11x64x2048xf32, #tpu.memory_space<hbm>> -> memref<1x1x8x2048xf32, #tpu.memory_space<hbm>>
    %dma_start3A_515 = tpu.memref_squeeze %dma_start3A_514 : memref<1x1x8x2048xf32, #tpu.memory_space<hbm>> -> memref<8x2048xf32, #tpu.memory_space<hbm>>
    tpu.enqueue_dma source(%arg4 : memref<8x2048xf32, #tpu.memory_space<vmem>>) target(%dma_start3A_515 : memref<8x2048xf32, #tpu.memory_space<hbm>>) target_semaphore(%arg6 : memref<!tpu.dma_semaphore, #tpu.memory_space<semaphore_mem>>)
    %mul3A_516 = arith.constant 8 : i32
    %mul3A_517 = arith.muli %mul3A_516, %select_n3A_365 : i32
    %dma_start3A_518 = arith.constant 8 : i32
    %dma_start3A_519 = arith.constant 0 : i32
    %dma_start3A_520 = tpu.memref_slice %arg3[%dma_start3A_518, %select_n3A_341, %mul3A_517, %dma_start3A_519] : memref<11x11x64x2048xf32, #tpu.memory_space<hbm>> -> memref<1x1x8x2048xf32, #tpu.memory_space<hbm>>
    %dma_start3A_521 = tpu.memref_squeeze %dma_start3A_520 : memref<1x1x8x2048xf32, #tpu.memory_space<hbm>> -> memref<8x2048xf32, #tpu.memory_space<hbm>>
    %dma_start3A_522 = arith.constant 0 : i32
    %dma_start3A_523 = tpu.memref_slice %arg3[%dma_start3A_518, %select_n3A_341, %mul3A_517, %dma_start3A_522] : memref<11x11x64x2048xf32, #tpu.memory_space<hbm>> -> memref<1x1x8x2048xf32, #tpu.memory_space<hbm>>
    %dma_start3A_524 = tpu.memref_squeeze %dma_start3A_523 : memref<1x1x8x2048xf32, #tpu.memory_space<hbm>> -> memref<8x2048xf32, #tpu.memory_space<hbm>>
    tpu.enqueue_dma source(%arg4 : memref<8x2048xf32, #tpu.memory_space<vmem>>) target(%dma_start3A_524 : memref<8x2048xf32, #tpu.memory_space<hbm>>) target_semaphore(%arg6 : memref<!tpu.dma_semaphore, #tpu.memory_space<semaphore_mem>>)
    %mul3A_525 = arith.constant 8 : i32
    %mul3A_526 = arith.muli %mul3A_525, %select_n3A_365 : i32
    %dma_start3A_527 = arith.constant 9 : i32
    %dma_start3A_528 = arith.constant 0 : i32
    %dma_start3A_529 = tpu.memref_slice %arg3[%dma_start3A_527, %select_n3A_341, %mul3A_526, %dma_start3A_528] : memref<11x11x64x2048xf32, #tpu.memory_space<hbm>> -> memref<1x1x8x2048xf32, #tpu.memory_space<hbm>>
    %dma_start3A_530 = tpu.memref_squeeze %dma_start3A_529 : memref<1x1x8x2048xf32, #tpu.memory_space<hbm>> -> memref<8x2048xf32, #tpu.memory_space<hbm>>
    %dma_start3A_531 = arith.constant 0 : i32
    %dma_start3A_532 = tpu.memref_slice %arg3[%dma_start3A_527, %select_n3A_341, %mul3A_526, %dma_start3A_531] : memref<11x11x64x2048xf32, #tpu.memory_space<hbm>> -> memref<1x1x8x2048xf32, #tpu.memory_space<hbm>>
    %dma_start3A_533 = tpu.memref_squeeze %dma_start3A_532 : memref<1x1x8x2048xf32, #tpu.memory_space<hbm>> -> memref<8x2048xf32, #tpu.memory_space<hbm>>
    tpu.enqueue_dma source(%arg4 : memref<8x2048xf32, #tpu.memory_space<vmem>>) target(%dma_start3A_533 : memref<8x2048xf32, #tpu.memory_space<hbm>>) target_semaphore(%arg6 : memref<!tpu.dma_semaphore, #tpu.memory_space<semaphore_mem>>)
    %mul3A_534 = arith.constant 8 : i32
    %mul3A_535 = arith.muli %mul3A_534, %select_n3A_365 : i32
    %dma_start3A_536 = arith.constant 10 : i32
    %dma_start3A_537 = arith.constant 0 : i32
    %dma_start3A_538 = tpu.memref_slice %arg3[%dma_start3A_536, %select_n3A_341, %mul3A_535, %dma_start3A_537] : memref<11x11x64x2048xf32, #tpu.memory_space<hbm>> -> memref<1x1x8x2048xf32, #tpu.memory_space<hbm>>
    %dma_start3A_539 = tpu.memref_squeeze %dma_start3A_538 : memref<1x1x8x2048xf32, #tpu.memory_space<hbm>> -> memref<8x2048xf32, #tpu.memory_space<hbm>>
    %dma_start3A_540 = arith.constant 0 : i32
    %dma_start3A_541 = tpu.memref_slice %arg3[%dma_start3A_536, %select_n3A_341, %mul3A_535, %dma_start3A_540] : memref<11x11x64x2048xf32, #tpu.memory_space<hbm>> -> memref<1x1x8x2048xf32, #tpu.memory_space<hbm>>
    %dma_start3A_542 = tpu.memref_squeeze %dma_start3A_541 : memref<1x1x8x2048xf32, #tpu.memory_space<hbm>> -> memref<8x2048xf32, #tpu.memory_space<hbm>>
    tpu.enqueue_dma source(%arg4 : memref<8x2048xf32, #tpu.memory_space<vmem>>) target(%dma_start3A_542 : memref<8x2048xf32, #tpu.memory_space<hbm>>) target_semaphore(%arg6 : memref<!tpu.dma_semaphore, #tpu.memory_space<semaphore_mem>>)
    %dma_wait3A_543 = arith.constant 0 : i32
    %dma_wait3A_544 = arith.constant 0 : i32
    %dma_wait3A_545 = tpu.memref_slice %arg3[%dma_wait3A_543, %select_n3A_341, %mul3A_445, %dma_wait3A_544] : memref<11x11x64x2048xf32, #tpu.memory_space<hbm>> -> memref<1x1x8x2048xf32, #tpu.memory_space<hbm>>
    %dma_wait3A_546 = tpu.memref_squeeze %dma_wait3A_545 : memref<1x1x8x2048xf32, #tpu.memory_space<hbm>> -> memref<8x2048xf32, #tpu.memory_space<hbm>>
    %dma_wait3A_547 = arith.constant 0 : i32
    %dma_wait3A_548 = tpu.memref_slice %arg3[%dma_wait3A_543, %select_n3A_341, %mul3A_445, %dma_wait3A_547] : memref<11x11x64x2048xf32, #tpu.memory_space<hbm>> -> memref<1x1x8x2048xf32, #tpu.memory_space<hbm>>
    %dma_wait3A_549 = tpu.memref_squeeze %dma_wait3A_548 : memref<1x1x8x2048xf32, #tpu.memory_space<hbm>> -> memref<8x2048xf32, #tpu.memory_space<hbm>>
    tpu.wait_dma2 semaphore(%arg6 : memref<!tpu.dma_semaphore, #tpu.memory_space<semaphore_mem>>) src(%arg4 : memref<8x2048xf32, #tpu.memory_space<vmem>>) dst(%dma_wait3A_549 : memref<8x2048xf32, #tpu.memory_space<hbm>>)
    %dma_wait3A_550 = arith.constant 1 : i32
    %dma_wait3A_551 = arith.constant 0 : i32
    %dma_wait3A_552 = tpu.memref_slice %arg3[%dma_wait3A_550, %select_n3A_341, %mul3A_454, %dma_wait3A_551] : memref<11x11x64x2048xf32, #tpu.memory_space<hbm>> -> memref<1x1x8x2048xf32, #tpu.memory_space<hbm>>
    %dma_wait3A_553 = tpu.memref_squeeze %dma_wait3A_552 : memref<1x1x8x2048xf32, #tpu.memory_space<hbm>> -> memref<8x2048xf32, #tpu.memory_space<hbm>>
    %dma_wait3A_554 = arith.constant 0 : i32
    %dma_wait3A_555 = tpu.memref_slice %arg3[%dma_wait3A_550, %select_n3A_341, %mul3A_454, %dma_wait3A_554] : memref<11x11x64x2048xf32, #tpu.memory_space<hbm>> -> memref<1x1x8x2048xf32, #tpu.memory_space<hbm>>
    %dma_wait3A_556 = tpu.memref_squeeze %dma_wait3A_555 : memref<1x1x8x2048xf32, #tpu.memory_space<hbm>> -> memref<8x2048xf32, #tpu.memory_space<hbm>>
    tpu.wait_dma2 semaphore(%arg6 : memref<!tpu.dma_semaphore, #tpu.memory_space<semaphore_mem>>) src(%arg4 : memref<8x2048xf32, #tpu.memory_space<vmem>>) dst(%dma_wait3A_556 : memref<8x2048xf32, #tpu.memory_space<hbm>>)
    %dma_wait3A_557 = arith.constant 2 : i32
    %dma_wait3A_558 = arith.constant 0 : i32
    %dma_wait3A_559 = tpu.memref_slice %arg3[%dma_wait3A_557, %select_n3A_341, %mul3A_463, %dma_wait3A_558] : memref<11x11x64x2048xf32, #tpu.memory_space<hbm>> -> memref<1x1x8x2048xf32, #tpu.memory_space<hbm>>
    %dma_wait3A_560 = tpu.memref_squeeze %dma_wait3A_559 : memref<1x1x8x2048xf32, #tpu.memory_space<hbm>> -> memref<8x2048xf32, #tpu.memory_space<hbm>>
    %dma_wait3A_561 = arith.constant 0 : i32
    %dma_wait3A_562 = tpu.memref_slice %arg3[%dma_wait3A_557, %select_n3A_341, %mul3A_463, %dma_wait3A_561] : memref<11x11x64x2048xf32, #tpu.memory_space<hbm>> -> memref<1x1x8x2048xf32, #tpu.memory_space<hbm>>
    %dma_wait3A_563 = tpu.memref_squeeze %dma_wait3A_562 : memref<1x1x8x2048xf32, #tpu.memory_space<hbm>> -> memref<8x2048xf32, #tpu.memory_space<hbm>>
    tpu.wait_dma2 semaphore(%arg6 : memref<!tpu.dma_semaphore, #tpu.memory_space<semaphore_mem>>) src(%arg4 : memref<8x2048xf32, #tpu.memory_space<vmem>>) dst(%dma_wait3A_563 : memref<8x2048xf32, #tpu.memory_space<hbm>>)
    %dma_wait3A_564 = arith.constant 3 : i32
    %dma_wait3A_565 = arith.constant 0 : i32
    %dma_wait3A_566 = tpu.memref_slice %arg3[%dma_wait3A_564, %select_n3A_341, %mul3A_472, %dma_wait3A_565] : memref<11x11x64x2048xf32, #tpu.memory_space<hbm>> -> memref<1x1x8x2048xf32, #tpu.memory_space<hbm>>
    %dma_wait3A_567 = tpu.memref_squeeze %dma_wait3A_566 : memref<1x1x8x2048xf32, #tpu.memory_space<hbm>> -> memref<8x2048xf32, #tpu.memory_space<hbm>>
    %dma_wait3A_568 = arith.constant 0 : i32
    %dma_wait3A_569 = tpu.memref_slice %arg3[%dma_wait3A_564, %select_n3A_341, %mul3A_472, %dma_wait3A_568] : memref<11x11x64x2048xf32, #tpu.memory_space<hbm>> -> memref<1x1x8x2048xf32, #tpu.memory_space<hbm>>
    %dma_wait3A_570 = tpu.memref_squeeze %dma_wait3A_569 : memref<1x1x8x2048xf32, #tpu.memory_space<hbm>> -> memref<8x2048xf32, #tpu.memory_space<hbm>>
    tpu.wait_dma2 semaphore(%arg6 : memref<!tpu.dma_semaphore, #tpu.memory_space<semaphore_mem>>) src(%arg4 : memref<8x2048xf32, #tpu.memory_space<vmem>>) dst(%dma_wait3A_570 : memref<8x2048xf32, #tpu.memory_space<hbm>>)
    %dma_wait3A_571 = arith.constant 4 : i32
    %dma_wait3A_572 = arith.constant 0 : i32
    %dma_wait3A_573 = tpu.memref_slice %arg3[%dma_wait3A_571, %select_n3A_341, %mul3A_481, %dma_wait3A_572] : memref<11x11x64x2048xf32, #tpu.memory_space<hbm>> -> memref<1x1x8x2048xf32, #tpu.memory_space<hbm>>
    %dma_wait3A_574 = tpu.memref_squeeze %dma_wait3A_573 : memref<1x1x8x2048xf32, #tpu.memory_space<hbm>> -> memref<8x2048xf32, #tpu.memory_space<hbm>>
    %dma_wait3A_575 = arith.constant 0 : i32
    %dma_wait3A_576 = tpu.memref_slice %arg3[%dma_wait3A_571, %select_n3A_341, %mul3A_481, %dma_wait3A_575] : memref<11x11x64x2048xf32, #tpu.memory_space<hbm>> -> memref<1x1x8x2048xf32, #tpu.memory_space<hbm>>
    %dma_wait3A_577 = tpu.memref_squeeze %dma_wait3A_576 : memref<1x1x8x2048xf32, #tpu.memory_space<hbm>> -> memref<8x2048xf32, #tpu.memory_space<hbm>>
    tpu.wait_dma2 semaphore(%arg6 : memref<!tpu.dma_semaphore, #tpu.memory_space<semaphore_mem>>) src(%arg4 : memref<8x2048xf32, #tpu.memory_space<vmem>>) dst(%dma_wait3A_577 : memref<8x2048xf32, #tpu.memory_space<hbm>>)
    %dma_wait3A_578 = arith.constant 5 : i32
    %dma_wait3A_579 = arith.constant 0 : i32
    %dma_wait3A_580 = tpu.memref_slice %arg3[%dma_wait3A_578, %select_n3A_341, %mul3A_490, %dma_wait3A_579] : memref<11x11x64x2048xf32, #tpu.memory_space<hbm>> -> memref<1x1x8x2048xf32, #tpu.memory_space<hbm>>
    %dma_wait3A_581 = tpu.memref_squeeze %dma_wait3A_580 : memref<1x1x8x2048xf32, #tpu.memory_space<hbm>> -> memref<8x2048xf32, #tpu.memory_space<hbm>>
    %dma_wait3A_582 = arith.constant 0 : i32
    %dma_wait3A_583 = tpu.memref_slice %arg3[%dma_wait3A_578, %select_n3A_341, %mul3A_490, %dma_wait3A_582] : memref<11x11x64x2048xf32, #tpu.memory_space<hbm>> -> memref<1x1x8x2048xf32, #tpu.memory_space<hbm>>
    %dma_wait3A_584 = tpu.memref_squeeze %dma_wait3A_583 : memref<1x1x8x2048xf32, #tpu.memory_space<hbm>> -> memref<8x2048xf32, #tpu.memory_space<hbm>>
    tpu.wait_dma2 semaphore(%arg6 : memref<!tpu.dma_semaphore, #tpu.memory_space<semaphore_mem>>) src(%arg4 : memref<8x2048xf32, #tpu.memory_space<vmem>>) dst(%dma_wait3A_584 : memref<8x2048xf32, #tpu.memory_space<hbm>>)
    %dma_wait3A_585 = arith.constant 6 : i32
    %dma_wait3A_586 = arith.constant 0 : i32
    %dma_wait3A_587 = tpu.memref_slice %arg3[%dma_wait3A_585, %select_n3A_341, %mul3A_499, %dma_wait3A_586] : memref<11x11x64x2048xf32, #tpu.memory_space<hbm>> -> memref<1x1x8x2048xf32, #tpu.memory_space<hbm>>
    %dma_wait3A_588 = tpu.memref_squeeze %dma_wait3A_587 : memref<1x1x8x2048xf32, #tpu.memory_space<hbm>> -> memref<8x2048xf32, #tpu.memory_space<hbm>>
    %dma_wait3A_589 = arith.constant 0 : i32
    %dma_wait3A_590 = tpu.memref_slice %arg3[%dma_wait3A_585, %select_n3A_341, %mul3A_499, %dma_wait3A_589] : memref<11x11x64x2048xf32, #tpu.memory_space<hbm>> -> memref<1x1x8x2048xf32, #tpu.memory_space<hbm>>
    %dma_wait3A_591 = tpu.memref_squeeze %dma_wait3A_590 : memref<1x1x8x2048xf32, #tpu.memory_space<hbm>> -> memref<8x2048xf32, #tpu.memory_space<hbm>>
    tpu.wait_dma2 semaphore(%arg6 : memref<!tpu.dma_semaphore, #tpu.memory_space<semaphore_mem>>) src(%arg4 : memref<8x2048xf32, #tpu.memory_space<vmem>>) dst(%dma_wait3A_591 : memref<8x2048xf32, #tpu.memory_space<hbm>>)
    %dma_wait3A_592 = arith.constant 7 : i32
    %dma_wait3A_593 = arith.constant 0 : i32
    %dma_wait3A_594 = tpu.memref_slice %arg3[%dma_wait3A_592, %select_n3A_341, %mul3A_508, %dma_wait3A_593] : memref<11x11x64x2048xf32, #tpu.memory_space<hbm>> -> memref<1x1x8x2048xf32, #tpu.memory_space<hbm>>
    %dma_wait3A_595 = tpu.memref_squeeze %dma_wait3A_594 : memref<1x1x8x2048xf32, #tpu.memory_space<hbm>> -> memref<8x2048xf32, #tpu.memory_space<hbm>>
    %dma_wait3A_596 = arith.constant 0 : i32
    %dma_wait3A_597 = tpu.memref_slice %arg3[%dma_wait3A_592, %select_n3A_341, %mul3A_508, %dma_wait3A_596] : memref<11x11x64x2048xf32, #tpu.memory_space<hbm>> -> memref<1x1x8x2048xf32, #tpu.memory_space<hbm>>
    %dma_wait3A_598 = tpu.memref_squeeze %dma_wait3A_597 : memref<1x1x8x2048xf32, #tpu.memory_space<hbm>> -> memref<8x2048xf32, #tpu.memory_space<hbm>>
    tpu.wait_dma2 semaphore(%arg6 : memref<!tpu.dma_semaphore, #tpu.memory_space<semaphore_mem>>) src(%arg4 : memref<8x2048xf32, #tpu.memory_space<vmem>>) dst(%dma_wait3A_598 : memref<8x2048xf32, #tpu.memory_space<hbm>>)
    %dma_wait3A_599 = arith.constant 8 : i32
    %dma_wait3A_600 = arith.constant 0 : i32
    %dma_wait3A_601 = tpu.memref_slice %arg3[%dma_wait3A_599, %select_n3A_341, %mul3A_517, %dma_wait3A_600] : memref<11x11x64x2048xf32, #tpu.memory_space<hbm>> -> memref<1x1x8x2048xf32, #tpu.memory_space<hbm>>
    %dma_wait3A_602 = tpu.memref_squeeze %dma_wait3A_601 : memref<1x1x8x2048xf32, #tpu.memory_space<hbm>> -> memref<8x2048xf32, #tpu.memory_space<hbm>>
    %dma_wait3A_603 = arith.constant 0 : i32
    %dma_wait3A_604 = tpu.memref_slice %arg3[%dma_wait3A_599, %select_n3A_341, %mul3A_517, %dma_wait3A_603] : memref<11x11x64x2048xf32, #tpu.memory_space<hbm>> -> memref<1x1x8x2048xf32, #tpu.memory_space<hbm>>
    %dma_wait3A_605 = tpu.memref_squeeze %dma_wait3A_604 : memref<1x1x8x2048xf32, #tpu.memory_space<hbm>> -> memref<8x2048xf32, #tpu.memory_space<hbm>>
    tpu.wait_dma2 semaphore(%arg6 : memref<!tpu.dma_semaphore, #tpu.memory_space<semaphore_mem>>) src(%arg4 : memref<8x2048xf32, #tpu.memory_space<vmem>>) dst(%dma_wait3A_605 : memref<8x2048xf32, #tpu.memory_space<hbm>>)
    %dma_wait3A_606 = arith.constant 9 : i32
    %dma_wait3A_607 = arith.constant 0 : i32
    %dma_wait3A_608 = tpu.memref_slice %arg3[%dma_wait3A_606, %select_n3A_341, %mul3A_526, %dma_wait3A_607] : memref<11x11x64x2048xf32, #tpu.memory_space<hbm>> -> memref<1x1x8x2048xf32, #tpu.memory_space<hbm>>
    %dma_wait3A_609 = tpu.memref_squeeze %dma_wait3A_608 : memref<1x1x8x2048xf32, #tpu.memory_space<hbm>> -> memref<8x2048xf32, #tpu.memory_space<hbm>>
    %dma_wait3A_610 = arith.constant 0 : i32
    %dma_wait3A_611 = tpu.memref_slice %arg3[%dma_wait3A_606, %select_n3A_341, %mul3A_526, %dma_wait3A_610] : memref<11x11x64x2048xf32, #tpu.memory_space<hbm>> -> memref<1x1x8x2048xf32, #tpu.memory_space<hbm>>
    %dma_wait3A_612 = tpu.memref_squeeze %dma_wait3A_611 : memref<1x1x8x2048xf32, #tpu.memory_space<hbm>> -> memref<8x2048xf32, #tpu.memory_space<hbm>>
    tpu.wait_dma2 semaphore(%arg6 : memref<!tpu.dma_semaphore, #tpu.memory_space<semaphore_mem>>) src(%arg4 : memref<8x2048xf32, #tpu.memory_space<vmem>>) dst(%dma_wait3A_612 : memref<8x2048xf32, #tpu.memory_space<hbm>>)
    %dma_wait3A_613 = arith.constant 10 : i32
    %dma_wait3A_614 = arith.constant 0 : i32
    %dma_wait3A_615 = tpu.memref_slice %arg3[%dma_wait3A_613, %select_n3A_341, %mul3A_535, %dma_wait3A_614] : memref<11x11x64x2048xf32, #tpu.memory_space<hbm>> -> memref<1x1x8x2048xf32, #tpu.memory_space<hbm>>
    %dma_wait3A_616 = tpu.memref_squeeze %dma_wait3A_615 : memref<1x1x8x2048xf32, #tpu.memory_space<hbm>> -> memref<8x2048xf32, #tpu.memory_space<hbm>>
    %dma_wait3A_617 = arith.constant 0 : i32
    %dma_wait3A_618 = tpu.memref_slice %arg3[%dma_wait3A_613, %select_n3A_341, %mul3A_535, %dma_wait3A_617] : memref<11x11x64x2048xf32, #tpu.memory_space<hbm>> -> memref<1x1x8x2048xf32, #tpu.memory_space<hbm>>
    %dma_wait3A_619 = tpu.memref_squeeze %dma_wait3A_618 : memref<1x1x8x2048xf32, #tpu.memory_space<hbm>> -> memref<8x2048xf32, #tpu.memory_space<hbm>>
    tpu.wait_dma2 semaphore(%arg6 : memref<!tpu.dma_semaphore, #tpu.memory_space<semaphore_mem>>) src(%arg4 : memref<8x2048xf32, #tpu.memory_space<vmem>>) dst(%dma_wait3A_619 : memref<8x2048xf32, #tpu.memory_space<hbm>>)
    %dma_wait3A_620 = arith.constant 0 : i32
    %dma_wait3A_621 = arith.constant 0 : i32
    %dma_wait3A_622 = tpu.memref_slice %arg3[%dma_wait3A_620, %select_n3A_182, %mul3A_210, %dma_wait3A_621] : memref<11x11x64x2048xf32, #tpu.memory_space<hbm>> -> memref<1x1x8x2048xf32, #tpu.memory_space<hbm>>
    %dma_wait3A_623 = tpu.memref_squeeze %dma_wait3A_622 : memref<1x1x8x2048xf32, #tpu.memory_space<hbm>> -> memref<8x2048xf32, #tpu.memory_space<hbm>>
    %dma_wait3A_624 = arith.constant 0 : i32
    %dma_wait3A_625 = tpu.memref_slice %arg3[%dma_wait3A_620, %select_n3A_182, %mul3A_210, %dma_wait3A_624] : memref<11x11x64x2048xf32, #tpu.memory_space<hbm>> -> memref<1x1x8x2048xf32, #tpu.memory_space<hbm>>
    %dma_wait3A_626 = tpu.memref_squeeze %dma_wait3A_625 : memref<1x1x8x2048xf32, #tpu.memory_space<hbm>> -> memref<8x2048xf32, #tpu.memory_space<hbm>>
    tpu.wait_dma2 semaphore(%arg7 : memref<!tpu.dma_semaphore, #tpu.memory_space<semaphore_mem>>) src(%arg5 : memref<8x2048xf32, #tpu.memory_space<vmem>>) dst(%dma_wait3A_626 : memref<8x2048xf32, #tpu.memory_space<hbm>>)
    %dma_wait3A_627 = arith.constant 1 : i32
    %dma_wait3A_628 = arith.constant 0 : i32
    %dma_wait3A_629 = tpu.memref_slice %arg3[%dma_wait3A_627, %select_n3A_182, %mul3A_219, %dma_wait3A_628] : memref<11x11x64x2048xf32, #tpu.memory_space<hbm>> -> memref<1x1x8x2048xf32, #tpu.memory_space<hbm>>
    %dma_wait3A_630 = tpu.memref_squeeze %dma_wait3A_629 : memref<1x1x8x2048xf32, #tpu.memory_space<hbm>> -> memref<8x2048xf32, #tpu.memory_space<hbm>>
    %dma_wait3A_631 = arith.constant 0 : i32
    %dma_wait3A_632 = tpu.memref_slice %arg3[%dma_wait3A_627, %select_n3A_182, %mul3A_219, %dma_wait3A_631] : memref<11x11x64x2048xf32, #tpu.memory_space<hbm>> -> memref<1x1x8x2048xf32, #tpu.memory_space<hbm>>
    %dma_wait3A_633 = tpu.memref_squeeze %dma_wait3A_632 : memref<1x1x8x2048xf32, #tpu.memory_space<hbm>> -> memref<8x2048xf32, #tpu.memory_space<hbm>>
    tpu.wait_dma2 semaphore(%arg7 : memref<!tpu.dma_semaphore, #tpu.memory_space<semaphore_mem>>) src(%arg5 : memref<8x2048xf32, #tpu.memory_space<vmem>>) dst(%dma_wait3A_633 : memref<8x2048xf32, #tpu.memory_space<hbm>>)
    %dma_wait3A_634 = arith.constant 2 : i32
    %dma_wait3A_635 = arith.constant 0 : i32
    %dma_wait3A_636 = tpu.memref_slice %arg3[%dma_wait3A_634, %select_n3A_182, %mul3A_228, %dma_wait3A_635] : memref<11x11x64x2048xf32, #tpu.memory_space<hbm>> -> memref<1x1x8x2048xf32, #tpu.memory_space<hbm>>
    %dma_wait3A_637 = tpu.memref_squeeze %dma_wait3A_636 : memref<1x1x8x2048xf32, #tpu.memory_space<hbm>> -> memref<8x2048xf32, #tpu.memory_space<hbm>>
    %dma_wait3A_638 = arith.constant 0 : i32
    %dma_wait3A_639 = tpu.memref_slice %arg3[%dma_wait3A_634, %select_n3A_182, %mul3A_228, %dma_wait3A_638] : memref<11x11x64x2048xf32, #tpu.memory_space<hbm>> -> memref<1x1x8x2048xf32, #tpu.memory_space<hbm>>
    %dma_wait3A_640 = tpu.memref_squeeze %dma_wait3A_639 : memref<1x1x8x2048xf32, #tpu.memory_space<hbm>> -> memref<8x2048xf32, #tpu.memory_space<hbm>>
    tpu.wait_dma2 semaphore(%arg7 : memref<!tpu.dma_semaphore, #tpu.memory_space<semaphore_mem>>) src(%arg5 : memref<8x2048xf32, #tpu.memory_space<vmem>>) dst(%dma_wait3A_640 : memref<8x2048xf32, #tpu.memory_space<hbm>>)
    %dma_wait3A_641 = arith.constant 3 : i32
    %dma_wait3A_642 = arith.constant 0 : i32
    %dma_wait3A_643 = tpu.memref_slice %arg3[%dma_wait3A_641, %select_n3A_182, %mul3A_237, %dma_wait3A_642] : memref<11x11x64x2048xf32, #tpu.memory_space<hbm>> -> memref<1x1x8x2048xf32, #tpu.memory_space<hbm>>
    %dma_wait3A_644 = tpu.memref_squeeze %dma_wait3A_643 : memref<1x1x8x2048xf32, #tpu.memory_space<hbm>> -> memref<8x2048xf32, #tpu.memory_space<hbm>>
    %dma_wait3A_645 = arith.constant 0 : i32
    %dma_wait3A_646 = tpu.memref_slice %arg3[%dma_wait3A_641, %select_n3A_182, %mul3A_237, %dma_wait3A_645] : memref<11x11x64x2048xf32, #tpu.memory_space<hbm>> -> memref<1x1x8x2048xf32, #tpu.memory_space<hbm>>
    %dma_wait3A_647 = tpu.memref_squeeze %dma_wait3A_646 : memref<1x1x8x2048xf32, #tpu.memory_space<hbm>> -> memref<8x2048xf32, #tpu.memory_space<hbm>>
    tpu.wait_dma2 semaphore(%arg7 : memref<!tpu.dma_semaphore, #tpu.memory_space<semaphore_mem>>) src(%arg5 : memref<8x2048xf32, #tpu.memory_space<vmem>>) dst(%dma_wait3A_647 : memref<8x2048xf32, #tpu.memory_space<hbm>>)
    %dma_wait3A_648 = arith.constant 4 : i32
    %dma_wait3A_649 = arith.constant 0 : i32
    %dma_wait3A_650 = tpu.memref_slice %arg3[%dma_wait3A_648, %select_n3A_182, %mul3A_246, %dma_wait3A_649] : memref<11x11x64x2048xf32, #tpu.memory_space<hbm>> -> memref<1x1x8x2048xf32, #tpu.memory_space<hbm>>
    %dma_wait3A_651 = tpu.memref_squeeze %dma_wait3A_650 : memref<1x1x8x2048xf32, #tpu.memory_space<hbm>> -> memref<8x2048xf32, #tpu.memory_space<hbm>>
    %dma_wait3A_652 = arith.constant 0 : i32
    %dma_wait3A_653 = tpu.memref_slice %arg3[%dma_wait3A_648, %select_n3A_182, %mul3A_246, %dma_wait3A_652] : memref<11x11x64x2048xf32, #tpu.memory_space<hbm>> -> memref<1x1x8x2048xf32, #tpu.memory_space<hbm>>
    %dma_wait3A_654 = tpu.memref_squeeze %dma_wait3A_653 : memref<1x1x8x2048xf32, #tpu.memory_space<hbm>> -> memref<8x2048xf32, #tpu.memory_space<hbm>>
    tpu.wait_dma2 semaphore(%arg7 : memref<!tpu.dma_semaphore, #tpu.memory_space<semaphore_mem>>) src(%arg5 : memref<8x2048xf32, #tpu.memory_space<vmem>>) dst(%dma_wait3A_654 : memref<8x2048xf32, #tpu.memory_space<hbm>>)
    %dma_wait3A_655 = arith.constant 5 : i32
    %dma_wait3A_656 = arith.constant 0 : i32
    %dma_wait3A_657 = tpu.memref_slice %arg3[%dma_wait3A_655, %select_n3A_182, %mul3A_255, %dma_wait3A_656] : memref<11x11x64x2048xf32, #tpu.memory_space<hbm>> -> memref<1x1x8x2048xf32, #tpu.memory_space<hbm>>
    %dma_wait3A_658 = tpu.memref_squeeze %dma_wait3A_657 : memref<1x1x8x2048xf32, #tpu.memory_space<hbm>> -> memref<8x2048xf32, #tpu.memory_space<hbm>>
    %dma_wait3A_659 = arith.constant 0 : i32
    %dma_wait3A_660 = tpu.memref_slice %arg3[%dma_wait3A_655, %select_n3A_182, %mul3A_255, %dma_wait3A_659] : memref<11x11x64x2048xf32, #tpu.memory_space<hbm>> -> memref<1x1x8x2048xf32, #tpu.memory_space<hbm>>
    %dma_wait3A_661 = tpu.memref_squeeze %dma_wait3A_660 : memref<1x1x8x2048xf32, #tpu.memory_space<hbm>> -> memref<8x2048xf32, #tpu.memory_space<hbm>>
    tpu.wait_dma2 semaphore(%arg7 : memref<!tpu.dma_semaphore, #tpu.memory_space<semaphore_mem>>) src(%arg5 : memref<8x2048xf32, #tpu.memory_space<vmem>>) dst(%dma_wait3A_661 : memref<8x2048xf32, #tpu.memory_space<hbm>>)
    %dma_wait3A_662 = arith.constant 6 : i32
    %dma_wait3A_663 = arith.constant 0 : i32
    %dma_wait3A_664 = tpu.memref_slice %arg3[%dma_wait3A_662, %select_n3A_182, %mul3A_264, %dma_wait3A_663] : memref<11x11x64x2048xf32, #tpu.memory_space<hbm>> -> memref<1x1x8x2048xf32, #tpu.memory_space<hbm>>
    %dma_wait3A_665 = tpu.memref_squeeze %dma_wait3A_664 : memref<1x1x8x2048xf32, #tpu.memory_space<hbm>> -> memref<8x2048xf32, #tpu.memory_space<hbm>>
    %dma_wait3A_666 = arith.constant 0 : i32
    %dma_wait3A_667 = tpu.memref_slice %arg3[%dma_wait3A_662, %select_n3A_182, %mul3A_264, %dma_wait3A_666] : memref<11x11x64x2048xf32, #tpu.memory_space<hbm>> -> memref<1x1x8x2048xf32, #tpu.memory_space<hbm>>
    %dma_wait3A_668 = tpu.memref_squeeze %dma_wait3A_667 : memref<1x1x8x2048xf32, #tpu.memory_space<hbm>> -> memref<8x2048xf32, #tpu.memory_space<hbm>>
    tpu.wait_dma2 semaphore(%arg7 : memref<!tpu.dma_semaphore, #tpu.memory_space<semaphore_mem>>) src(%arg5 : memref<8x2048xf32, #tpu.memory_space<vmem>>) dst(%dma_wait3A_668 : memref<8x2048xf32, #tpu.memory_space<hbm>>)
    %dma_wait3A_669 = arith.constant 7 : i32
    %dma_wait3A_670 = arith.constant 0 : i32
    %dma_wait3A_671 = tpu.memref_slice %arg3[%dma_wait3A_669, %select_n3A_182, %mul3A_273, %dma_wait3A_670] : memref<11x11x64x2048xf32, #tpu.memory_space<hbm>> -> memref<1x1x8x2048xf32, #tpu.memory_space<hbm>>
    %dma_wait3A_672 = tpu.memref_squeeze %dma_wait3A_671 : memref<1x1x8x2048xf32, #tpu.memory_space<hbm>> -> memref<8x2048xf32, #tpu.memory_space<hbm>>
    %dma_wait3A_673 = arith.constant 0 : i32
    %dma_wait3A_674 = tpu.memref_slice %arg3[%dma_wait3A_669, %select_n3A_182, %mul3A_273, %dma_wait3A_673] : memref<11x11x64x2048xf32, #tpu.memory_space<hbm>> -> memref<1x1x8x2048xf32, #tpu.memory_space<hbm>>
    %dma_wait3A_675 = tpu.memref_squeeze %dma_wait3A_674 : memref<1x1x8x2048xf32, #tpu.memory_space<hbm>> -> memref<8x2048xf32, #tpu.memory_space<hbm>>
    tpu.wait_dma2 semaphore(%arg7 : memref<!tpu.dma_semaphore, #tpu.memory_space<semaphore_mem>>) src(%arg5 : memref<8x2048xf32, #tpu.memory_space<vmem>>) dst(%dma_wait3A_675 : memref<8x2048xf32, #tpu.memory_space<hbm>>)
    %dma_wait3A_676 = arith.constant 8 : i32
    %dma_wait3A_677 = arith.constant 0 : i32
    %dma_wait3A_678 = tpu.memref_slice %arg3[%dma_wait3A_676, %select_n3A_182, %mul3A_282, %dma_wait3A_677] : memref<11x11x64x2048xf32, #tpu.memory_space<hbm>> -> memref<1x1x8x2048xf32, #tpu.memory_space<hbm>>
    %dma_wait3A_679 = tpu.memref_squeeze %dma_wait3A_678 : memref<1x1x8x2048xf32, #tpu.memory_space<hbm>> -> memref<8x2048xf32, #tpu.memory_space<hbm>>
    %dma_wait3A_680 = arith.constant 0 : i32
    %dma_wait3A_681 = tpu.memref_slice %arg3[%dma_wait3A_676, %select_n3A_182, %mul3A_282, %dma_wait3A_680] : memref<11x11x64x2048xf32, #tpu.memory_space<hbm>> -> memref<1x1x8x2048xf32, #tpu.memory_space<hbm>>
    %dma_wait3A_682 = tpu.memref_squeeze %dma_wait3A_681 : memref<1x1x8x2048xf32, #tpu.memory_space<hbm>> -> memref<8x2048xf32, #tpu.memory_space<hbm>>
    tpu.wait_dma2 semaphore(%arg7 : memref<!tpu.dma_semaphore, #tpu.memory_space<semaphore_mem>>) src(%arg5 : memref<8x2048xf32, #tpu.memory_space<vmem>>) dst(%dma_wait3A_682 : memref<8x2048xf32, #tpu.memory_space<hbm>>)
    %dma_wait3A_683 = arith.constant 9 : i32
    %dma_wait3A_684 = arith.constant 0 : i32
    %dma_wait3A_685 = tpu.memref_slice %arg3[%dma_wait3A_683, %select_n3A_182, %mul3A_291, %dma_wait3A_684] : memref<11x11x64x2048xf32, #tpu.memory_space<hbm>> -> memref<1x1x8x2048xf32, #tpu.memory_space<hbm>>
    %dma_wait3A_686 = tpu.memref_squeeze %dma_wait3A_685 : memref<1x1x8x2048xf32, #tpu.memory_space<hbm>> -> memref<8x2048xf32, #tpu.memory_space<hbm>>
    %dma_wait3A_687 = arith.constant 0 : i32
    %dma_wait3A_688 = tpu.memref_slice %arg3[%dma_wait3A_683, %select_n3A_182, %mul3A_291, %dma_wait3A_687] : memref<11x11x64x2048xf32, #tpu.memory_space<hbm>> -> memref<1x1x8x2048xf32, #tpu.memory_space<hbm>>
    %dma_wait3A_689 = tpu.memref_squeeze %dma_wait3A_688 : memref<1x1x8x2048xf32, #tpu.memory_space<hbm>> -> memref<8x2048xf32, #tpu.memory_space<hbm>>
    tpu.wait_dma2 semaphore(%arg7 : memref<!tpu.dma_semaphore, #tpu.memory_space<semaphore_mem>>) src(%arg5 : memref<8x2048xf32, #tpu.memory_space<vmem>>) dst(%dma_wait3A_689 : memref<8x2048xf32, #tpu.memory_space<hbm>>)
    %dma_wait3A_690 = arith.constant 10 : i32
    %dma_wait3A_691 = arith.constant 0 : i32
    %dma_wait3A_692 = tpu.memref_slice %arg3[%dma_wait3A_690, %select_n3A_182, %mul3A_300, %dma_wait3A_691] : memref<11x11x64x2048xf32, #tpu.memory_space<hbm>> -> memref<1x1x8x2048xf32, #tpu.memory_space<hbm>>
    %dma_wait3A_693 = tpu.memref_squeeze %dma_wait3A_692 : memref<1x1x8x2048xf32, #tpu.memory_space<hbm>> -> memref<8x2048xf32, #tpu.memory_space<hbm>>
    %dma_wait3A_694 = arith.constant 0 : i32
    %dma_wait3A_695 = tpu.memref_slice %arg3[%dma_wait3A_690, %select_n3A_182, %mul3A_300, %dma_wait3A_694] : memref<11x11x64x2048xf32, #tpu.memory_space<hbm>> -> memref<1x1x8x2048xf32, #tpu.memory_space<hbm>>
    %dma_wait3A_696 = tpu.memref_squeeze %dma_wait3A_695 : memref<1x1x8x2048xf32, #tpu.memory_space<hbm>> -> memref<8x2048xf32, #tpu.memory_space<hbm>>
    tpu.wait_dma2 semaphore(%arg7 : memref<!tpu.dma_semaphore, #tpu.memory_space<semaphore_mem>>) src(%arg5 : memref<8x2048xf32, #tpu.memory_space<vmem>>) dst(%dma_wait3A_696 : memref<8x2048xf32, #tpu.memory_space<hbm>>)
    return
  }
}

module attributes {stable_mosaic.version = 14 : i64} {
  func.func @_gather_body(%arg0: i32, %arg1: memref<1x16xi32, #tpu.memory_space<vmem>>, %arg2: memref<8x64x2048xf32, #tpu.memory_space<vmem>>, %arg3: memref<16x8x2048xf32, #tpu.memory_space<vmem>>) attributes {dimension_semantics = [#tpu.dimension_semantics<arbitrary>], iteration_bounds = array<i64: 8>, scalar_prefetch = 0 : i64, scratch_operands = 0 : i64, tpu.core_type = #tpu.core_type<tc>, window_params = [{pipeline_mode = #tpu.pipeline_mode<synchronous>, transform_indices = @transform_0, window_bounds = array<i64: 1, 16>}, {transform_indices = @transform_1, window_bounds = array<i64: 8, 64, 2048>}, {transform_indices = @transform_2, window_bounds = array<i64: 16, 8, 2048>}]} {
    %get3A = arith.constant 0 : index
    %get3A_0 = arith.constant 0 : index
    %get3A_1 = arith.constant 0 : index
    %get3A_2 = vector.load %arg2[%get3A, %get3A_0, %get3A_1] : memref<8x64x2048xf32, #tpu.memory_space<vmem>>, vector<8x64x2048xf32>
    %reduce_sum3A = arith.constant dense<0.000000e+00> : vector<8xf32>
    %reduce_sum3A_3 = vector.multi_reduction <add>, %get3A_2, %reduce_sum3A [1, 2] : vector<8x64x2048xf32> to vector<8xf32>
    %mul3A = arith.mulf %get3A_2, %get3A_2 : vector<8x64x2048xf32>
    %reduce_sum3A_4 = arith.constant dense<0.000000e+00> : vector<8xf32>
    %reduce_sum3A_5 = vector.multi_reduction <add>, %mul3A, %reduce_sum3A_4 [1, 2] : vector<8x64x2048xf32> to vector<8xf32>
    %mul3A_6 = arith.constant 7.62939453E-6 : f32
    %mul3A_7 = vector.broadcast %mul3A_6 : f32 to vector<8xf32>
    %mul3A_8 = arith.mulf %reduce_sum3A_3, %mul3A_7 : vector<8xf32>
    %mul3A_9 = arith.mulf %reduce_sum3A_3, %mul3A_8 : vector<8xf32>
    %sub3A = arith.subf %reduce_sum3A_5, %mul3A_9 : vector<8xf32>
    %mul3A_10 = arith.constant 7.62945274E-6 : f32
    %mul3A_11 = vector.broadcast %mul3A_10 : f32 to vector<8xf32>
    %mul3A_12 = arith.mulf %sub3A, %mul3A_11 : vector<8xf32>
    %sqrt3A = math.sqrt %mul3A_12 : vector<8xf32>
    %add3A = arith.constant 9.99999997E-7 : f32
    %add3A_13 = vector.broadcast %add3A : f32 to vector<8xf32>
    %add3A_14 = arith.addf %sqrt3A, %add3A_13 : vector<8xf32>
    %div3A = arith.constant 1.000000e+00 : f32
    %div3A_15 = vector.broadcast %div3A : f32 to vector<8xf32>
    %div3A_16 = arith.divf %div3A_15, %add3A_14 : vector<8xf32>
    %iota3A = tpu.iota {dimensions = array<i32: 1>} : vector<16x64xi32>
    %get3A_17 = arith.constant 0 : index
    %get3A_18 = arith.constant 0 : index
    %get3A_19 = vector.load %arg1[%get3A_17, %get3A_18] : memref<1x16xi32, #tpu.memory_space<vmem>>, vector<1x16xi32>
    %get3A_20 = vector.shape_cast %get3A_19 : vector<1x16xi32> to vector<16xi32>
    %broadcast_in_dim3A = vector.shape_cast %get3A_20 : vector<16xi32> to vector<16x1xi32>
    %eq3A = vector.broadcast %broadcast_in_dim3A : vector<16x1xi32> to vector<16x64xi32>
    %eq3A_21 = arith.cmpi eq, %iota3A, %eq3A : vector<16x64xi32>
    %convert_element_type3A = arith.extui %eq3A_21 : vector<16x64xi1> to vector<16x64xi32>
    %convert_element_type3A_22 = arith.sitofp %convert_element_type3A : vector<16x64xi32> to vector<16x64xf32>
    %convert_element_type3A_23 = arith.truncf %convert_element_type3A_22 : vector<16x64xf32> to vector<16x64xbf16>
    %convert_element_type3A_24 = arith.truncf %get3A_2 : vector<8x64x2048xf32> to vector<8x64x2048xbf16>
    %convert_element_type3A_25 = arith.extf %convert_element_type3A_24 : vector<8x64x2048xbf16> to vector<8x64x2048xf32>
    %sub3A_26 = arith.subf %get3A_2, %convert_element_type3A_25 : vector<8x64x2048xf32>
    %convert_element_type3A_27 = arith.truncf %sub3A_26 : vector<8x64x2048xf32> to vector<8x64x2048xbf16>
    %dot_general3A = arith.constant dense<0.000000e+00> : vector<16x8x2048xf32>
    %dot_general3A_28 = tpu.matmul %convert_element_type3A_23, %convert_element_type3A_24, %dot_general3A {dimension_numbers = #tpu.dot_dimension_numbers<[1], [1], [0], [0, 2], [0, 0, 1, 0, 1, 2], [], []>, transpose_lhs_hint = false} : vector<16x64xbf16>, vector<8x64x2048xbf16>, vector<16x8x2048xf32> -> vector<16x8x2048xf32>
    %dot_general3A_29 = arith.constant dense<0.000000e+00> : vector<16x8x2048xf32>
    %dot_general3A_30 = tpu.matmul %convert_element_type3A_23, %convert_element_type3A_27, %dot_general3A_29 {dimension_numbers = #tpu.dot_dimension_numbers<[1], [1], [0], [0, 2], [0, 0, 1, 0, 1, 2], [], []>, transpose_lhs_hint = false} : vector<16x64xbf16>, vector<8x64x2048xbf16>, vector<16x8x2048xf32> -> vector<16x8x2048xf32>
    %add3A_31 = arith.addf %dot_general3A_28, %dot_general3A_30 : vector<16x8x2048xf32>
    %broadcast_in_dim3A_32 = vector.shape_cast %mul3A_8 : vector<8xf32> to vector<1x8x1xf32>
    %sub3A_33 = vector.broadcast %broadcast_in_dim3A_32 : vector<1x8x1xf32> to vector<16x8x2048xf32>
    %sub3A_34 = arith.subf %add3A_31, %sub3A_33 : vector<16x8x2048xf32>
    %broadcast_in_dim3A_35 = vector.shape_cast %div3A_16 : vector<8xf32> to vector<1x8x1xf32>
    %mul3A_36 = vector.broadcast %broadcast_in_dim3A_35 : vector<1x8x1xf32> to vector<16x8x2048xf32>
    %mul3A_37 = arith.mulf %sub3A_34, %mul3A_36 : vector<16x8x2048xf32>
    %swap3A = arith.constant 0 : index
    %swap3A_38 = arith.constant 0 : index
    %swap3A_39 = arith.constant 0 : index
    %swap3A_40 = vector.load %arg3[%swap3A, %swap3A_38, %swap3A_39] : memref<16x8x2048xf32, #tpu.memory_space<vmem>>, vector<16x8x2048xf32>
    tpu.vector_store %arg3[%swap3A, %swap3A_38, %swap3A_39], %mul3A_37 {strides = array<i32>} : memref<16x8x2048xf32, #tpu.memory_space<vmem>>, vector<16x8x2048xf32>,
    return
  }
  func.func @transform_0(%arg0: i32) -> (i32, i32) {
    %c0_i32 = arith.constant 0 : i32
    %c0_i32_0 = arith.constant 0 : i32
    %c0_i32_1 = arith.constant 0 : i32
    return %c0_i32, %c0_i32_0 : i32, i32
  }
  func.func @transform_1(%arg0: i32) -> (i32, i32, i32) {
    %c0_i32 = arith.constant 0 : i32
    %c0_i32_0 = arith.constant 0 : i32
    %c0_i32_1 = arith.constant 0 : i32
    return %arg0, %c0_i32, %c0_i32_0 : i32, i32, i32
  }
  func.func @transform_2(%arg0: i32) -> (i32, i32, i32) {
    %c0_i32 = arith.constant 0 : i32
    %c0_i32_0 = arith.constant 0 : i32
    %c0_i32_1 = arith.constant 0 : i32
    return %c0_i32, %arg0, %c0_i32_0 : i32, i32, i32
  }
}

</mosaic_0001>

<sc_bundles>
// kernel: kernel.4.cloned.1.call-start
scs
__scs_entry_jumppad:
0x0: {  	(pc) =	sbr.rel $0x88, $3  }
0x1: {  	(tag) =	ssettag $0x0;
	lr =	simm.s32 $0x1  }
0x2: {  	[smem:$0x3F9E] =	sst lr;
	_ =	strace $0xD0000000  }
0x3: {  	_ = 	snop  }
0x4: {  	_ = 	snop  }
0x5: {  	_ = 	snop  }
0x6: {  	_ = 	snop  }
0x7: {  	_ = 	snop  }
__scs_overlays_trampoline_lowered:
0x8: {  	[smem:$0x3FAD] =	sst s0  }
0x9: {  	[smem:$0x3FAE] =	sst s1  }
0xa: {  	[smem:$0x3FAF] =	sst s2  }
0xb: {  	[smem:$0x3FB0] =	sst s3  }
0xc: {  	[smem:$0x3FB1] =	sst s4  }
0xd: {  	[smem:$0x3FB2] =	sst s5  }
0xe: {  	[smem:$0x3FB3] =	sst s6  }
0xf: {  	[smem:$0x3FB4] =	sst s7  }
0x10: {  	[smem:$0x3FB5] =	sst s8  }
0x11: {  	[smem:$0x3FB6] =	sst s9;
	s0 =	simm.s32 @!p0 $0x0  }
0x12: {  	s1 =	sld [smem:$0x3F9C];
	s0 =	simm.s32 @p0 $0x1  }
0x13: {  	[smem:$0x3FB7] =	sst s0;
	s0 =	simm.s32 @!p1 $0x0  }
0x14: {  	s2 =	sld [smem:$0x3F9B];
	s0 =	simm.s32 @p1 $0x1  }
0x15: {  	[smem:$0x3FB8] =	sst s0;
	s0 =	simm.s32 @!p2 $0x0  }
0x16: {  	s3 =	sld [smem:$0x3FDB];
	s0 =	simm.s32 @p2 $0x1  }
0x17: {  	s4 =	simm.s32 $0x1BF5;
	[smem:$0x3FBA] =	sst s0  }
0x18: {  	s0 =	sld [smem:$0x3F9D];
	_ =	swait.ge [sflag:s4], $0x0  }
0x19: {  	s7 =	sld [smem:$0x3F9E]  }
0x1a: {  	s8 =	sadd.s32 $0xFFFFE003, lr  }
0x1b: {  	s9 =	sadd.s32 $0xFFFFFEF7, lr;
	s5 =	simm.s32 $0xFFFFFFFF;
	p2 =	slt.u32 s8, $0xFFFFF086  }
0x1c: {  	p1 =	slt.u32 s9, $0xF7A;
	s5 =	simm.s32 @!p2 $0x0  }
0x1d: {  	s5 =	simm.s32 @p1 $0x1;
	p0 =	seq.s32 s7, s2  }
0x1e: {  	s7 =	smul.u32 @!p0 $0xF7A, s2;
	p2 =	seq.s32 @!p0 s5, $0x0  }
0x1f: {  	s9 =	smul.u32 $0xF7A, s1;
	s8 =	simm.s32 @!p0 $0x1BF5;
	p2 =	por !p2, p0  }
0x20: {  	[sflag:s8] =	ssyncset.s32 @!p0 $0xFFFFF086;
	s6 =	sadd.s32 @!p0 s3, s7;
	s7 =	simm.s32 @!p0 $0x108  }
0x21: {  	s3 =	sadd.s32 s3, s9;
	s6 =	sadd.s32 @!p0 $0x88, s6;
	s7 =	simm.s32 @p2 $0x1082  }
0x22: {  	[simem:s7], [sflag:s8] =	dma.local @!p0 [hbm:s6], $0xF7A  }
0x23: {  	s9 =	sor.u32 $0xD0000000, s2;
	s6 =	simm.s32 $0x108;
	_ =	swait.ge @!p0 [sflag:s8], $0x0  }
0x24: {  	s3 =	sadd.s32 $0x88, s3;
	s6 =	simm.s32 @!p1 $0x1082;
	[sflag:s4] =	ssyncset.s32 $0xFFFFF086  }
0x25: {  	[simem:s6], [sflag:s4] =	dma.local [hbm:s3], $0xF7A  }
0x26: {  	[smem:$0x3F9E] =	sst s1;
	(tag) =	ssettag s2;
	_ =	strace s9  }
0x27: {  	s1 =	sld [smem:$0x3FAE]  }
0x28: {  	s2 =	sld [smem:$0x3FAF]  }
0x29: {  	s4 =	sld [smem:$0x3FB1]  }
0x2a: {  	p0 =	seq.s32 s5, $0x0;
	s5 =	sld [smem:$0x3FB2]  }
0x2b: {  	s6 =	sld [smem:$0x3FB3]  }
0x2c: {  	s7 =	sld [smem:$0x3FB4]  }
0x2d: {  	s3 =	simm.s32 $0x108;
	s8 =	sld [smem:$0x3FB5]  }
0x2e: {  	s3 =	simm.s32 @!p0 $0x1082;
	s9 =	sld [smem:$0x3FB6]  }
0x2f: {  	lr =	sadd.s32 s0, s3;
	s0 =	sld [smem:$0x3FAD]  }
0x30: {  	s3 =	sld [smem:$0x3FB0]  }
0x31: {  	[smem:$0x3FB9] =	sst s10  }
0x32: {  	s10 =	sld [smem:$0x3FB7];
	_ =	sdelay $0x3  }
0x33: {  	p0 =	seq.s32 s10, $0x1;
	s10 =	sld [smem:$0x3FB9];
	_ =	sdelay $0x3  }
0x34: {  	[smem:$0x3FB9] =	sst s10  }
0x35: {  	s10 =	sld [smem:$0x3FB8];
	_ =	sdelay $0x3  }
0x36: {  	p1 =	seq.s32 s10, $0x1;
	s10 =	sld [smem:$0x3FB9];
	_ =	sdelay $0x3  }
0x37: {  	[smem:$0x3FB9] =	sst s10  }
0x38: {  	s10 =	sld [smem:$0x3FBA]  }
0x39: {  	_ = 	snop;
	(pc) =	sbr.ind lr, $3  }
0x3a: {  	_ = 	snop  }
0x3b: {  	_ = 	snop  }
0x3c: {  	p2 =	seq.s32 s10, $0x1;
	s10 =	sld [smem:$0x3FB9]  }
0x3d: {  	_ =	shalt  }
0x3e: {  	_ =	shalt  }
0x3f: {  	_ =	shalt  }
0x40: {  	_ =	shalt  }
0x41: {  	_ =	shalt  }
0x42: {  	_ =	shalt  }
0x43: {  	_ =	shalt  }
0x44: {  	_ =	shalt  }
0x45: {  	_ =	shalt  }
0x46: {  	_ =	shalt  }
0x47: {  	_ =	shalt  }
0x48: {  	_ =	shalt  }
0x49: {  	_ =	shalt  }
0x4a: {  	_ =	shalt  }
0x4b: {  	_ =	shalt  }
0x4c: {  	_ =	shalt  }
0x4d: {  	_ =	shalt  }
0x4e: {  	_ =	shalt  }
0x4f: {  	_ =	shalt  }
0x50: {  	_ =	shalt  }
0x51: {  	_ =	shalt  }
0x52: {  	_ =	shalt  }
0x53: {  	_ =	shalt  }
0x54: {  	_ =	shalt  }
0x55: {  	_ =	shalt  }
0x56: {  	_ =	shalt  }
0x57: {  	_ =	shalt  }
0x58: {  	_ =	shalt  }
0x59: {  	_ =	shalt  }
0x5a: {  	_ =	shalt  }
0x5b: {  	_ =	shalt  }
0x5c: {  	_ =	shalt  }
0x5d: {  	_ =	shalt  }
0x5e: {  	_ =	shalt  }
0x5f: {  	_ =	shalt  }
0x60: {  	_ =	shalt  }
0x61: {  	_ =	shalt  }
0x62: {  	_ =	shalt  }
0x63: {  	_ =	shalt  }
0x64: {  	_ =	shalt  }
0x65: {  	_ =	shalt  }
0x66: {  	_ =	shalt  }
0x67: {  	_ =	shalt  }
0x68: {  	_ =	shalt  }
0x69: {  	_ =	shalt  }
0x6a: {  	_ =	shalt  }
0x6b: {  	_ =	shalt  }
0x6c: {  	_ =	shalt  }
0x6d: {  	_ =	shalt  }
0x6e: {  	_ =	shalt  }
0x6f: {  	_ =	shalt  }
0x70: {  	_ =	shalt  }
0x71: {  	_ =	shalt  }
0x72: {  	_ =	shalt  }
0x73: {  	_ =	shalt  }
0x74: {  	_ =	shalt  }
0x75: {  	_ =	shalt  }
0x76: {  	_ =	shalt  }
0x77: {  	_ =	shalt  }
0x78: {  	_ =	shalt  }
0x79: {  	_ =	shalt  }
0x7a: {  	_ =	shalt  }
0x7b: {  	_ =	shalt  }
0x7c: {  	_ =	shalt  }
0x7d: {  	_ =	shalt  }
0x7e: {  	_ =	shalt  }
0x7f: {  	_ =	shalt  }
0x80: {  	_ =	shalt  }
0x81: {  	_ =	shalt  }
0x82: {  	_ =	shalt  }
0x83: {  	_ =	shalt  }
0x84: {  	_ =	shalt  }
0x85: {  	_ =	shalt  }
0x86: {  	_ =	shalt  }
0x87: {  	_ =	shalt  }
.Lfunc_end0:
.L_simem_size_0:
called_computation_lowered:
.L_overlay_start_0:
0x88: {  	s2 =	sld [smem:$0x3FD9]  }
0x89: {  	s3 =	sld [smem:$0x3FFE];
	_ =	sdelay $0x1  }
0x8a: {  	s1 =	srdreg.scid  }
0x8b: {  	s0 =	sand.u32 $0x1, s1  }
0x8c: {  	s17 =	sshll.u32 s0, $0xA;
	s2 =	sadd.s32 s3, s2  }
0x8d: {  	s2 =	sadd.s32 s2, s17  }
0x8e: {  	[smem:$0x3FC5] =	sst s2  }
0x8f: {  	_ = 	snop  }
0x90: {  	s2 =	sld [smem:$0x3FD0];
	(tm) =	ssettm $0x1  }
0x91: {  	s18 =	sld [smem:$0x3FFB];
	_ =	sdelay $0x3  }
0x92: {  	_ =	strace s18  }
0x93: {  	s3 =	sld [smem:$0x3FFC];
	_ =	sdelay $0x3  }
0x94: {  	_ =	strace s3  }
0x95: {  	s3 =	sld [smem:$0x3FFD];
	_ =	sdelay $0x3  }
0x96: {  	_ =	strace s3  }
0x97: {  	_ =	strace $0x8FFFFFFF  }
0x98: {  	s19 =	sld [smem:$0x3FDB];
	_ =	sdelay $0x1  }
0x99: {  	s4 =	simm.s32 $_scs_section_size  }
0x9a: {  	s5 =	simm.s32 $_size__tile_overlayer_lowered;
	s6 =	simm.s32 $_tile_overlayer_lowered  }
0x9b: {  	s22 =	simm.s32 $0x1BFF;
	s21 =	sshll.u32 s6, $0x1;
	s3 =	sadd.s32 s4, s19  }
0x9c: {  	s7 =	simm.s32 $0x0;
	s20 =	sshll.u32 s5, $0x1;
	s5 =	sadd.s32 s21, s3  }
0x9d: {  	[timem:s7], [sflag:s22] =	dma.local [hbm:s5], s20  }
0x9e: {  	_ =	swait.ge [sflag:s22], s20  }
0x9f: {  	s4 =	ssub.s32 $0x0, s20;
	[sflag:s22] =	ssyncset.done $0x0  }
0xa0: {  	[sflag:s22] =	ssyncadd.s32 s4;
	_ =	sdelay $0x1  }
0xa1: {  	s23 =	simm.s32 $0x1B8B  }
0xa2: {  	_ =	swait.ge [sflag:s23], $0x1  }
0xa3: {  	[sflag:s23] =	ssyncset.done $0x0  }
0xa4: {  	s25 =	simm.s32 $0x1B8E;
	s24 =	sld [smem:$0x3FFE];
	[sflag:s23] =	ssyncadd.s32 $0xFFFFFFFF  }
0xa5: {  	s26 =	simm.s32 $execute0_lowered;
	[smem:$0x3FD2] =	sst s25  }
0xa6: {  	s5 =	sshll.u32 s26, $0x1;
	_ =	strace $0x80000046;
	[dreg:$0x1] =	wrdreg $0xFFFFFFFF  }
0xa7: {  	s28 =	simm.s32 $_size_execute0_lowered;
	s3 =	sadd.s32 s3, s5;
	[dreg:$0x0] =	wrdreg $0x0  }
0xa8: {  	s5 =	sshll.u32 s28, $0x1;
	[dreg:$0x2] =	wrdreg s3  }
0xa9: {  	[dreg:$0x3] =	wrdreg s5  }
0xaa: {  	[dreg:$0x4] =	wrdreg $0xC0  }
0xab: {  	_ =	task [dreg:s7], $0x5FFFF  }
0xac: {  	[dreg:$0x1] =	wrdreg $0xFFFFFFFF  }
0xad: {  	[dreg:$0x0] =	wrdreg $0x60  }
0xae: {  	[dreg:$0x2] =	wrdreg s24  }
0xaf: {  	[dreg:$0x3] =	wrdreg s2  }
0xb0: {  	[dreg:$0x4] =	wrdreg $0x9  }
0xb1: {  	_ =	task.clear_ibuf [dreg:s7], $0x5FFFF;
	_ =	strace $0x90000046  }
0xb2: {  	s29 =	simm.s32 $0x9;
	_ =	strace $0x80000048  }
0xb3: {  	_ =	swait.ge [sflag:s29], $0x1  }
0xb4: {  	[sflag:s29] =	ssyncadd.s32 $0xFFFFFFFF  }
0xb5: {  	_ =	strace $0x90000048  }
0xb6: {  	_ =	sfence  }
0xb7: {  	s30 =	sld [smem:$0x0];
	_ =	sdelay $0x2  }
0xb8: {  	s31 =	sshll.u32 s1, $0xD;
	s1 =	sshrl.u32 s1, $0x2  }
0xb9: {  	s3 =	sand.u32 $0x4000, s31;
	s1 =	sadd.s32 s1, s30  }
0xba: {  	s0 =	sor.u32 s3, s0;
	s1 =	sshll.u32 s1, $0x11  }
0xbb: {  	s0 =	sor.u32 s1, s0  }
0xbc: {  	s0 =	sadd.s32 $0x8F2B, s0  }
0xbd: {  	[sflag:s0] =	ssyncadd.remote.s32 $0x1  }
0xbe: {  	_ =	sfence.sel $0xFFFF  }
0xbf: {  	[dreg:$0x0] =	wrdreg $0xFFFFFFFF;
	(pc) =	sbr.abs _section_cstart, $3  }
0xc0: {  	[dreg:$0x1] =	wrdreg $0xFFFFFFFF  }
0xc1: {  	_ =	task.clear_ibuf [dreg:s7], $0x2FFFF;
	_ =	strace $0x9FFFFFFF  }
0xc2: {  	(tm) =	ssettm $0x7FFFFFFF  }
0xc3: {  	_ =	shalt  }
tec
execute0_lowered:
.L_overlay_start_1:
0x0: {  	(tag) =	ssettag $0x1  }
0x1: {  	s0 =	srdreg.scid;
	s1 =	stileid.u32  }
0x2: {  	s0 =	sand.u32 $0x1, s0;
	s1 =	sshll.u32 s1, $0x1  }
0x3: {  	s4 =	sor.u32 s0, s1  }
0x4: {  	s1 =	sand.u32 $0xFF, s4  }
0x5: {  	s1 =	smul.u32 $0x75, s1  }
0x6: {  	s3 =	rddreg [dreg:$0x0]  }
0x7: {  	s31 =	simm.s32 $0x4000;
	s26 =	sor.u32 $0x20, s4;
	s1 =	sshrl.u32 s1, $0x8  }
0x8: {  	s0 =	ssub.s32 $0x2, s0;
	s8 =	sand.u32 $0xFF, s26;
	s2 =	ssub.s32 s4, s1  }
0x9: {  	s18 =	sshrl.u32 s0, $0x1;
	s8 =	smul.u32 $0x75, s8;
	s2 =	sand.u32 $0xFE, s2  }
0xa: {  	s3 =	sadd.s32 $0x400, s3;
	s0 =	ssub.s32 s0, s18;
	s2 =	sshrl.u32 s2, $0x1  }
0xb: {  	s18 =	simm.s32 $0x3;
	s13 =	sshrl.u32 s8, $0x8;
	s1 =	sadd.s32 s1, s2  }
0xc: {  	s0 =	smax.u32 s0, $0x1;
	s8 =	ssub.s32 s26, s13;
	s2 =	sshrl.u32 s1, $0x3  }
0xd: {  	p1 =	sne.s32 s0, $0x1;
	s8 =	sand.u32 $0xFE, s8;
	s1 =	smul.u32 $0xB, s2  }
0xe: {  	s14 =	sshrl.u32 s8, $0x1;
	s6 =	sshll.u32 s2, $0xE;
	s2 =	simm.s32 $0x0  }
0xf: {  	[smem:$0x7FF] =	sst s2;
	s1 =	ssub.s32 s4, s1;
	s4 =	sor.u32 $0x40, s4  }
0x10: {  	s5 =	sand.u32 $0xFF, s1;
	s1 =	rddreg [dreg:$0x1];
	_ =	strace $0x80000047  }
0x11: {  	s9 =	sadd.s32 $0xA8, s4;
	p0 =	slt.u32 s4, $0x58;
	s5 =	sshll.u32 s5, $0x11  }
0x12: {  	s9 =	smov.u32 @p0 s4;
	s4 =	sadd.s32 s13, s14;
	s5 =	sor.u32 s6, s5  }
0x13: {  	p0 =	por $0x0, $0x0;
	s15 =	sand.u32 $0xFF, s9;
	s5 =	sshrl.u32 s5, $0x3  }
0x14: {  	s4 =	sshrl.u32 s4, $0x3;
	s7 =	sadd.s32 s3, s5;
	s6 =	sadd.s32 s1, s5  }
0x15: {  	s17 =	smul.u32 $0x75, s15;
	[dreg:$0x3] =	wrdreg s7;
	s5 =	sadd.s32 $0x2C000, s6  }
0x16: {  	s10 =	sadd.s32 $0x58000, s6;
	s11 =	sadd.s32 $0x84000, s6;
	[dreg:$0x4] =	wrdreg s5  }
0x17: {  	s12 =	sadd.s32 $0xB0000, s6;
	s16 =	sadd.s32 $0x108000, s6;
	[dreg:$0x5] =	wrdreg s10  }
0x18: {  	s19 =	sadd.s32 $0x134000, s6;
	s20 =	sadd.s32 $0x160000, s6;
	[dreg:$0x6] =	wrdreg s11  }
0x19: {  	s22 =	sadd.s32 $0x18C000, s6;
	s23 =	sadd.s32 $0x1B8000, s6;
	[dreg:$0x7] =	wrdreg s12  }
0x1a: {  	[dreg:$0x9] =	wrdreg s16;
	s11 =	smul.u32 $0xB, s4;
	s5 =	sshrl.u32 s17, $0x8  }
0x1b: {  	s10 =	sadd.s32 $0xDC000, s6;
	[dreg:$0xa] =	wrdreg s19;
	s12 =	ssub.s32 s9, s5  }
0x1c: {  	[dreg:$0xb] =	wrdreg s20;
	s7 =	ssub.s32 s26, s11;
	s21 =	sand.u32 $0xFE, s12  }
0x1d: {  	[dreg:$0x8] =	wrdreg s10;
	s7 =	sand.u32 $0xFF, s7;
	s10 =	sshrl.u32 s21, $0x1  }
0x1e: {  	s4 =	sshll.u32 s4, $0xE;
	s7 =	sshll.u32 s7, $0x11;
	s5 =	sadd.s32 s5, s10  }
0x1f: {  	[dreg:$0xc] =	wrdreg s22;
	s4 =	sor.u32 s4, s7;
	s5 =	sshrl.u32 s5, $0x3  }
0x20: {  	[dreg:$0xd] =	wrdreg s23;
	s4 =	sshrl.u32 s4, $0x3;
	s24 =	smul.u32 $0xB, s5  }
0x21: {  	s5 =	sshll.u32 s5, $0xE;
	s25 =	sadd.s32 s3, s4;
	s19 =	sadd.s32 s1, s4  }
0x22: {  	[dreg:$0xe] =	wrdreg s25;
	s26 =	ssub.s32 s9, s24;
	s20 =	sadd.s32 $0x2C000, s19  }
0x23: {  	s21 =	sadd.s32 $0x58000, s19;
	s22 =	sadd.s32 $0x84000, s19;
	s4 =	sand.u32 $0xFF, s26  }
0x24: {  	s23 =	sadd.s32 $0xB0000, s19;
	s24 =	sadd.s32 $0xDC000, s19;
	s4 =	sshll.u32 s4, $0x11  }
0x25: {  	s25 =	sadd.s32 $0x108000, s19;
	s28 =	sadd.s32 $0x160000, s19;
	s4 =	sadd.s32 s5, s4  }
0x26: {  	s29 =	sadd.s32 $0x18C000, s19;
	s30 =	sadd.s32 $0x1B8000, s19;
	s4 =	sshrl.u32 s4, $0x3  }
0x27: {  	s26 =	sadd.s32 $0x134000, s19;
	s5 =	sadd.s32 s1, s4;
	s15 =	sadd.s32 s3, s4  }
.Ltmp0:
0x28: {  	s1 =	sadd.s32 $0xFFFFFFFF, s0;
	s4 =	simm.s32 $0x1;
	(pc) =	sbr.rel @!p1 .LBB2_3-.Ltmp0, $4  }
0x29: {  	s3 =	simm.s32 $0x2;
	s0 =	rddreg [dreg:$0x3];
	s7 =	sadd.s32 $0x2C000, s5  }
0x2a: {  	s8 =	sadd.s32 $0x58000, s5;
	s9 =	sadd.s32 $0x84000, s5;
	s10 =	sadd.s32 $0xB0000, s5  }
0x2b: {  	s11 =	sadd.s32 $0xDC000, s5;
	s12 =	sadd.s32 $0x108000, s5;
	s13 =	sadd.s32 $0x134000, s5  }
0x2c: {  	s14 =	sadd.s32 $0x160000, s5;
	s16 =	sadd.s32 $0x18C000, s5;
	s17 =	sadd.s32 $0x1B8000, s5  }
0x2d: {  	[tilespmem:s2], [sflag:$0x3] =	stream.linear.gather [hbm4b:s0+s2], $0x4000, $0x38;
	[tilespmem:$0x8000] =	vst v63  }
0x2e: {  	_ =	swait.ge [sflag:s18], $0x4000  }
0x2f: {  	[sflag:s18] =	ssyncset.done $0x0  }
0x30: {  	[dreg:$0xf] =	wrdreg s1;
	[sflag:s18] =	ssyncadd.s32 $0xFFFFC000  }
0x31: {  	[hbm4b:s6+s2] =	stream.linear.scatter [tilespmem:s2], [sflag:$0x1], $0x4000, $0x38;
	[tilespmem:$0x8000] =	vst v63  }
0x32: {  	s0 =	rddreg [dreg:$0x4]  }
0x33: {  	[hbm4b:s0+s2] =	stream.linear.scatter [tilespmem:s2], [sflag:$0x1], $0x4000, $0x38;
	[tilespmem:$0x8000] =	vst v63  }
0x34: {  	s1 =	rddreg [dreg:$0x5]  }
0x35: {  	[hbm4b:s1+s2] =	stream.linear.scatter [tilespmem:s2], [sflag:$0x1], $0x4000, $0x38;
	[tilespmem:$0x8000] =	vst v63  }
0x36: {  	s0 =	rddreg [dreg:$0x6]  }
0x37: {  	[hbm4b:s0+s2] =	stream.linear.scatter [tilespmem:s2], [sflag:$0x1], $0x4000, $0x38;
	[tilespmem:$0x8000] =	vst v63  }
0x38: {  	s1 =	rddreg [dreg:$0x7]  }
0x39: {  	[hbm4b:s1+s2] =	stream.linear.scatter [tilespmem:s2], [sflag:$0x1], $0x4000, $0x38;
	[tilespmem:$0x8000] =	vst v63  }
0x3a: {  	s0 =	rddreg [dreg:$0x8]  }
0x3b: {  	[hbm4b:s0+s2] =	stream.linear.scatter [tilespmem:s2], [sflag:$0x1], $0x4000, $0x38;
	[tilespmem:$0x8000] =	vst v63  }
0x3c: {  	s1 =	rddreg [dreg:$0x9]  }
0x3d: {  	[hbm4b:s1+s2] =	stream.linear.scatter [tilespmem:s2], [sflag:$0x1], $0x4000, $0x38;
	[tilespmem:$0x8000] =	vst v63  }
0x3e: {  	s0 =	rddreg [dreg:$0xa]  }
0x3f: {  	[hbm4b:s0+s2] =	stream.linear.scatter [tilespmem:s2], [sflag:$0x1], $0x4000, $0x38;
	[tilespmem:$0x8000] =	vst v63  }
0x40: {  	s1 =	rddreg [dreg:$0xb]  }
0x41: {  	[hbm4b:s1+s2] =	stream.linear.scatter [tilespmem:s2], [sflag:$0x1], $0x4000, $0x38;
	[tilespmem:$0x8000] =	vst v63  }
0x42: {  	s0 =	rddreg [dreg:$0xc]  }
0x43: {  	[hbm4b:s0+s2] =	stream.linear.scatter [tilespmem:s2], [sflag:$0x1], $0x4000, $0x38;
	[tilespmem:$0x8000] =	vst v63  }
0x44: {  	s1 =	rddreg [dreg:$0xd]  }
0x45: {  	[hbm4b:s1+s2] =	stream.linear.scatter [tilespmem:s2], [sflag:$0x1], $0x4000, $0x38;
	[tilespmem:$0x8000] =	vst v63  }
0x46: {  	s0 =	rddreg [dreg:$0xe]  }
0x47: {  	[tilespmem:s31], [sflag:$0x3] =	stream.linear.gather [hbm4b:s0+s2], $0x4000, $0x38;
	[tilespmem:$0x8000] =	vst v63  }
0x48: {  	_ =	swait.ge [sflag:s18], $0x4000  }
0x49: {  	[sflag:s18] =	ssyncset.done $0x0  }
0x4a: {  	[sflag:s18] =	ssyncadd.s32 $0xFFFFC000  }
0x4b: {  	[hbm4b:s19+s2] =	stream.linear.scatter [tilespmem:s31], [sflag:$0x2], $0x4000, $0x38;
	[tilespmem:$0x8000] =	vst v63  }
0x4c: {  	_ = 	snop  }
0x4d: {  	[hbm4b:s20+s2] =	stream.linear.scatter [tilespmem:s31], [sflag:$0x2], $0x4000, $0x38;
	[tilespmem:$0x8000] =	vst v63  }
0x4e: {  	_ = 	snop  }
0x4f: {  	[hbm4b:s21+s2] =	stream.linear.scatter [tilespmem:s31], [sflag:$0x2], $0x4000, $0x38;
	[tilespmem:$0x8000] =	vst v63  }
0x50: {  	_ = 	snop  }
0x51: {  	[hbm4b:s22+s2] =	stream.linear.scatter [tilespmem:s31], [sflag:$0x2], $0x4000, $0x38;
	[tilespmem:$0x8000] =	vst v63  }
0x52: {  	_ = 	snop  }
0x53: {  	[hbm4b:s23+s2] =	stream.linear.scatter [tilespmem:s31], [sflag:$0x2], $0x4000, $0x38;
	[tilespmem:$0x8000] =	vst v63  }
0x54: {  	_ = 	snop  }
0x55: {  	[hbm4b:s24+s2] =	stream.linear.scatter [tilespmem:s31], [sflag:$0x2], $0x4000, $0x38;
	[tilespmem:$0x8000] =	vst v63  }
0x56: {  	_ = 	snop  }
0x57: {  	[hbm4b:s25+s2] =	stream.linear.scatter [tilespmem:s31], [sflag:$0x2], $0x4000, $0x38;
	[tilespmem:$0x8000] =	vst v63  }
0x58: {  	_ = 	snop  }
0x59: {  	[hbm4b:s26+s2] =	stream.linear.scatter [tilespmem:s31], [sflag:$0x2], $0x4000, $0x38;
	[tilespmem:$0x8000] =	vst v63  }
0x5a: {  	_ = 	snop  }
0x5b: {  	[hbm4b:s28+s2] =	stream.linear.scatter [tilespmem:s31], [sflag:$0x2], $0x4000, $0x38;
	[tilespmem:$0x8000] =	vst v63  }
0x5c: {  	_ = 	snop  }
0x5d: {  	[hbm4b:s29+s2] =	stream.linear.scatter [tilespmem:s31], [sflag:$0x2], $0x4000, $0x38;
	[tilespmem:$0x8000] =	vst v63  }
0x5e: {  	_ = 	snop  }
0x5f: {  	[hbm4b:s30+s2] =	stream.linear.scatter [tilespmem:s31], [sflag:$0x2], $0x4000, $0x38;
	[tilespmem:$0x8000] =	vst v63  }
0x60: {  	_ =	swait.ge [sflag:s4], $0x4000  }
0x61: {  	[sflag:s4] =	ssyncset.done $0x0  }
0x62: {  	[sflag:s4] =	ssyncadd.s32 $0xFFFFC000  }
0x63: {  	_ =	swait.ge [sflag:s4], $0x4000  }
0x64: {  	[sflag:s4] =	ssyncset.done $0x0  }
0x65: {  	[sflag:s4] =	ssyncadd.s32 $0xFFFFC000  }
0x66: {  	_ =	swait.ge [sflag:s4], $0x4000  }
0x67: {  	[sflag:s4] =	ssyncset.done $0x0  }
0x68: {  	[sflag:s4] =	ssyncadd.s32 $0xFFFFC000  }
0x69: {  	_ =	swait.ge [sflag:s4], $0x4000  }
0x6a: {  	[sflag:s4] =	ssyncset.done $0x0  }
0x6b: {  	[sflag:s4] =	ssyncadd.s32 $0xFFFFC000  }
0x6c: {  	_ =	swait.ge [sflag:s4], $0x4000  }
0x6d: {  	[sflag:s4] =	ssyncset.done $0x0  }
0x6e: {  	[sflag:s4] =	ssyncadd.s32 $0xFFFFC000  }
0x6f: {  	_ =	swait.ge [sflag:s4], $0x4000  }
0x70: {  	[sflag:s4] =	ssyncset.done $0x0  }
0x71: {  	[sflag:s4] =	ssyncadd.s32 $0xFFFFC000  }
0x72: {  	_ =	swait.ge [sflag:s4], $0x4000  }
0x73: {  	[sflag:s4] =	ssyncset.done $0x0  }
0x74: {  	[sflag:s4] =	ssyncadd.s32 $0xFFFFC000  }
0x75: {  	_ =	swait.ge [sflag:s4], $0x4000  }
0x76: {  	[sflag:s4] =	ssyncset.done $0x0  }
0x77: {  	[sflag:s4] =	ssyncadd.s32 $0xFFFFC000  }
0x78: {  	_ =	swait.ge [sflag:s4], $0x4000  }
0x79: {  	[sflag:s4] =	ssyncset.done $0x0  }
0x7a: {  	[sflag:s4] =	ssyncadd.s32 $0xFFFFC000  }
0x7b: {  	_ =	swait.ge [sflag:s4], $0x4000  }
0x7c: {  	[sflag:s4] =	ssyncset.done $0x0  }
0x7d: {  	[sflag:s4] =	ssyncadd.s32 $0xFFFFC000  }
0x7e: {  	_ =	swait.ge [sflag:s4], $0x4000  }
0x7f: {  	[sflag:s4] =	ssyncset.done $0x0  }
0x80: {  	[sflag:s4] =	ssyncadd.s32 $0xFFFFC000  }
0x81: {  	[tilespmem:s2], [sflag:$0x3] =	stream.linear.gather [hbm4b:s15+s2], $0x4000, $0x38;
	[tilespmem:$0x8000] =	vst v63  }
0x82: {  	_ =	swait.ge [sflag:s18], $0x4000  }
0x83: {  	[sflag:s18] =	ssyncset.done $0x0  }
0x84: {  	[sflag:s18] =	ssyncadd.s32 $0xFFFFC000  }
0x85: {  	[hbm4b:s5+s2] =	stream.linear.scatter [tilespmem:s2], [sflag:$0x1], $0x4000, $0x38;
	[tilespmem:$0x8000] =	vst v63  }
0x86: {  	_ = 	snop  }
0x87: {  	[hbm4b:s7+s2] =	stream.linear.scatter [tilespmem:s2], [sflag:$0x1], $0x4000, $0x38;
	[tilespmem:$0x8000] =	vst v63  }
0x88: {  	_ = 	snop  }
0x89: {  	[hbm4b:s8+s2] =	stream.linear.scatter [tilespmem:s2], [sflag:$0x1], $0x4000, $0x38;
	[tilespmem:$0x8000] =	vst v63  }
0x8a: {  	_ = 	snop  }
0x8b: {  	[hbm4b:s9+s2] =	stream.linear.scatter [tilespmem:s2], [sflag:$0x1], $0x4000, $0x38;
	[tilespmem:$0x8000] =	vst v63  }
0x8c: {  	_ = 	snop  }
0x8d: {  	[hbm4b:s10+s2] =	stream.linear.scatter [tilespmem:s2], [sflag:$0x1], $0x4000, $0x38;
	[tilespmem:$0x8000] =	vst v63  }
0x8e: {  	_ = 	snop  }
0x8f: {  	[hbm4b:s11+s2] =	stream.linear.scatter [tilespmem:s2], [sflag:$0x1], $0x4000, $0x38;
	[tilespmem:$0x8000] =	vst v63  }
0x90: {  	_ = 	snop  }
0x91: {  	[hbm4b:s12+s2] =	stream.linear.scatter [tilespmem:s2], [sflag:$0x1], $0x4000, $0x38;
	[tilespmem:$0x8000] =	vst v63  }
0x92: {  	_ = 	snop  }
0x93: {  	[hbm4b:s13+s2] =	stream.linear.scatter [tilespmem:s2], [sflag:$0x1], $0x4000, $0x38;
	[tilespmem:$0x8000] =	vst v63  }
0x94: {  	_ = 	snop  }
0x95: {  	[hbm4b:s14+s2] =	stream.linear.scatter [tilespmem:s2], [sflag:$0x1], $0x4000, $0x38;
	[tilespmem:$0x8000] =	vst v63  }
0x96: {  	_ = 	snop  }
0x97: {  	[hbm4b:s16+s2] =	stream.linear.scatter [tilespmem:s2], [sflag:$0x1], $0x4000, $0x38;
	[tilespmem:$0x8000] =	vst v63  }
0x98: {  	_ = 	snop  }
0x99: {  	[hbm4b:s17+s2] =	stream.linear.scatter [tilespmem:s2], [sflag:$0x1], $0x4000, $0x38;
	[tilespmem:$0x8000] =	vst v63  }
0x9a: {  	_ =	swait.ge [sflag:s4], $0x4000  }
0x9b: {  	[sflag:s4] =	ssyncset.done $0x0  }
0x9c: {  	[sflag:s4] =	ssyncadd.s32 $0xFFFFC000  }
0x9d: {  	_ =	swait.ge [sflag:s4], $0x4000  }
0x9e: {  	[sflag:s4] =	ssyncset.done $0x0  }
0x9f: {  	[sflag:s4] =	ssyncadd.s32 $0xFFFFC000  }
0xa0: {  	_ =	swait.ge [sflag:s4], $0x4000  }
0xa1: {  	[sflag:s4] =	ssyncset.done $0x0  }
0xa2: {  	[sflag:s4] =	ssyncadd.s32 $0xFFFFC000  }
0xa3: {  	_ =	swait.ge [sflag:s4], $0x4000  }
0xa4: {  	[sflag:s4] =	ssyncset.done $0x0  }
0xa5: {  	[sflag:s4] =	ssyncadd.s32 $0xFFFFC000  }
0xa6: {  	_ =	swait.ge [sflag:s4], $0x4000  }
0xa7: {  	[sflag:s4] =	ssyncset.done $0x0  }
0xa8: {  	[sflag:s4] =	ssyncadd.s32 $0xFFFFC000  }
0xa9: {  	_ =	swait.ge [sflag:s4], $0x4000  }
0xaa: {  	[sflag:s4] =	ssyncset.done $0x0  }
0xab: {  	[sflag:s4] =	ssyncadd.s32 $0xFFFFC000  }
0xac: {  	_ =	swait.ge [sflag:s4], $0x4000  }
0xad: {  	[sflag:s4] =	ssyncset.done $0x0  }
0xae: {  	[sflag:s4] =	ssyncadd.s32 $0xFFFFC000  }
0xaf: {  	_ =	swait.ge [sflag:s4], $0x4000  }
0xb0: {  	[sflag:s4] =	ssyncset.done $0x0  }
0xb1: {  	[sflag:s4] =	ssyncadd.s32 $0xFFFFC000  }
0xb2: {  	_ =	swait.ge [sflag:s4], $0x4000  }
0xb3: {  	[sflag:s4] =	ssyncset.done $0x0  }
0xb4: {  	[sflag:s4] =	ssyncadd.s32 $0xFFFFC000  }
0xb5: {  	_ =	swait.ge [sflag:s4], $0x4000  }
0xb6: {  	[sflag:s4] =	ssyncset.done $0x0  }
0xb7: {  	[sflag:s4] =	ssyncadd.s32 $0xFFFFC000  }
0xb8: {  	_ =	swait.ge [sflag:s4], $0x4000  }
0xb9: {  	[sflag:s4] =	ssyncset.done $0x0  }
0xba: {  	[sflag:s4] =	ssyncadd.s32 $0xFFFFC000  }
0xbb: {  	_ =	swait.ge [sflag:s3], $0x4000  }
0xbc: {  	[sflag:s3] =	ssyncset.done $0x0  }
0xbd: {  	[sflag:s3] =	ssyncadd.s32 $0xFFFFC000  }
0xbe: {  	_ =	swait.ge [sflag:s3], $0x4000  }
0xbf: {  	[sflag:s3] =	ssyncset.done $0x0  }
0xc0: {  	[sflag:s3] =	ssyncadd.s32 $0xFFFFC000  }
0xc1: {  	_ =	swait.ge [sflag:s3], $0x4000  }
0xc2: {  	[sflag:s3] =	ssyncset.done $0x0  }
0xc3: {  	[sflag:s3] =	ssyncadd.s32 $0xFFFFC000  }
0xc4: {  	_ =	swait.ge [sflag:s3], $0x4000  }
0xc5: {  	[sflag:s3] =	ssyncset.done $0x0  }
0xc6: {  	[sflag:s3] =	ssyncadd.s32 $0xFFFFC000  }
0xc7: {  	_ =	swait.ge [sflag:s3], $0x4000  }
0xc8: {  	[sflag:s3] =	ssyncset.done $0x0  }
0xc9: {  	[sflag:s3] =	ssyncadd.s32 $0xFFFFC000  }
0xca: {  	_ =	swait.ge [sflag:s3], $0x4000  }
0xcb: {  	[sflag:s3] =	ssyncset.done $0x0  }
0xcc: {  	[sflag:s3] =	ssyncadd.s32 $0xFFFFC000  }
0xcd: {  	_ =	swait.ge [sflag:s3], $0x4000  }
0xce: {  	[sflag:s3] =	ssyncset.done $0x0  }
0xcf: {  	[sflag:s3] =	ssyncadd.s32 $0xFFFFC000  }
0xd0: {  	_ =	swait.ge [sflag:s3], $0x4000  }
0xd1: {  	[sflag:s3] =	ssyncset.done $0x0  }
0xd2: {  	[sflag:s3] =	ssyncadd.s32 $0xFFFFC000  }
0xd3: {  	_ =	swait.ge [sflag:s3], $0x4000  }
0xd4: {  	[sflag:s3] =	ssyncset.done $0x0  }
0xd5: {  	[sflag:s3] =	ssyncadd.s32 $0xFFFFC000  }
0xd6: {  	_ =	swait.ge [sflag:s3], $0x4000  }
0xd7: {  	s1 =	rddreg [dreg:$0xf]  }
0xd8: {  	p1 =	sne.s32 s1, $0x1  }
.Ltmp1:
0xd9: {  	_ = 	snop;
	(pc) =	sbr.rel @!p1 .LBB2_3-.Ltmp1, $4  }
0xda: {  	[sflag:s3] =	ssyncset.done $0x0  }
0xdb: {  	[sflag:s3] =	ssyncadd.s32 $0xFFFFC000  }
0xdc: {  	p0 =	por $0x1, $0x1;
	_ =	swait.ge [sflag:s3], $0x4000  }
0xdd: {  	s1 =	sadd.s32 $0xFFFFFFFF, s1;
	s0 =	rddreg [dreg:$0x3];
	[sflag:s3] =	ssyncset.done $0x0  }
.LBB2_2:
0xde: {  	[sflag:s3] =	ssyncadd.s32 $0xFFFFC000  }
0xdf: {  	[tilespmem:s2], [sflag:$0x3] =	stream.linear.gather [hbm4b:s0+s2], $0x4000, $0x38;
	[tilespmem:$0x8000] =	vst v63  }
0xe0: {  	_ =	swait.ge [sflag:s18], $0x4000  }
0xe1: {  	[sflag:s18] =	ssyncset.done $0x0  }
0xe2: {  	s0 =	rddreg [dreg:$0x4];
	[sflag:s18] =	ssyncadd.s32 $0xFFFFC000;
	s18 =	smov.u32 s30  }
0xe3: {  	s30 =	smov.u32 s29;
	s29 =	smov.u32 s28;
	s28 =	smov.u32 s19  }
0xe4: {  	s19 =	smov.u32 s26;
	s26 =	smov.u32 s25;
	s25 =	smov.u32 s24  }
0xe5: {  	s24 =	smov.u32 s23;
	s23 =	smov.u32 s22;
	s22 =	smov.u32 s21  }
0xe6: {  	[hbm4b:s6+s2] =	stream.linear.scatter [tilespmem:s2], [sflag:$0x1], $0x4000, $0x38;
	[tilespmem:$0x8000] =	vst v63  }
0xe7: {  	s21 =	smov.u32 s20;
	s20 =	smov.u32 s6;
	s6 =	smov.u32 s5  }
0xe8: {  	s5 =	smov.u32 s17;
	s17 =	smov.u32 s16;
	s16 =	smov.u32 s15  }
0xe9: {  	s15 =	smov.u32 s14;
	s14 =	smov.u32 s13;
	s13 =	smov.u32 s12  }
0xea: {  	s12 =	smov.u32 s11;
	s11 =	smov.u32 s10;
	s10 =	smov.u32 s9  }
0xeb: {  	[hbm4b:s0+s2] =	stream.linear.scatter [tilespmem:s2], [sflag:$0x1], $0x4000, $0x38;
	[tilespmem:$0x8000] =	vst v63  }
0xec: {  	s9 =	smov.u32 s8;
	s8 =	smov.u32 s7;
	s7 =	rddreg [dreg:$0x5]  }
0xed: {  	[hbm4b:s7+s2] =	stream.linear.scatter [tilespmem:s2], [sflag:$0x1], $0x4000, $0x38;
	[tilespmem:$0x8000] =	vst v63  }
0xee: {  	s0 =	rddreg [dreg:$0x6]  }
0xef: {  	[hbm4b:s0+s2] =	stream.linear.scatter [tilespmem:s2], [sflag:$0x1], $0x4000, $0x38;
	[tilespmem:$0x8000] =	vst v63  }
0xf0: {  	s7 =	rddreg [dreg:$0x7]  }
0xf1: {  	[hbm4b:s7+s2] =	stream.linear.scatter [tilespmem:s2], [sflag:$0x1], $0x4000, $0x38;
	[tilespmem:$0x8000] =	vst v63  }
0xf2: {  	s0 =	rddreg [dreg:$0x8]  }
0xf3: {  	[hbm4b:s0+s2] =	stream.linear.scatter [tilespmem:s2], [sflag:$0x1], $0x4000, $0x38;
	[tilespmem:$0x8000] =	vst v63  }
0xf4: {  	s7 =	rddreg [dreg:$0x9]  }
0xf5: {  	[hbm4b:s7+s2] =	stream.linear.scatter [tilespmem:s2], [sflag:$0x1], $0x4000, $0x38;
	[tilespmem:$0x8000] =	vst v63  }
0xf6: {  	s0 =	rddreg [dreg:$0xa]  }
0xf7: {  	[hbm4b:s0+s2] =	stream.linear.scatter [tilespmem:s2], [sflag:$0x1], $0x4000, $0x38;
	[tilespmem:$0x8000] =	vst v63  }
0xf8: {  	s7 =	rddreg [dreg:$0xb]  }
0xf9: {  	[hbm4b:s7+s2] =	stream.linear.scatter [tilespmem:s2], [sflag:$0x1], $0x4000, $0x38;
	[tilespmem:$0x8000] =	vst v63  }
0xfa: {  	s0 =	rddreg [dreg:$0xc]  }
0xfb: {  	[hbm4b:s0+s2] =	stream.linear.scatter [tilespmem:s2], [sflag:$0x1], $0x4000, $0x38;
	[tilespmem:$0x8000] =	vst v63  }
0xfc: {  	s7 =	rddreg [dreg:$0xd]  }
0xfd: {  	[hbm4b:s7+s2] =	stream.linear.scatter [tilespmem:s2], [sflag:$0x1], $0x4000, $0x38;
	[tilespmem:$0x8000] =	vst v63  }
0xfe: {  	s0 =	rddreg [dreg:$0xe];
	s7 =	smov.u32 s8  }
0xff: {  	s8 =	smov.u32 s9;
	s9 =	smov.u32 s10;
	s10 =	smov.u32 s11  }
0x100: {  	s11 =	smov.u32 s12;
	s12 =	smov.u32 s13;
	s13 =	smov.u32 s14  }
0x101: {  	s14 =	smov.u32 s15;
	s15 =	smov.u32 s16;
	s16 =	smov.u32 s17  }
0x102: {  	s17 =	smov.u32 s5;
	s5 =	smov.u32 s6;
	s6 =	smov.u32 s20  }
0x103: {  	s20 =	smov.u32 s21;
	s21 =	smov.u32 s22;
	s22 =	smov.u32 s23  }
0x104: {  	s23 =	smov.u32 s24;
	s24 =	smov.u32 s25;
	s25 =	smov.u32 s26  }
0x105: {  	s26 =	smov.u32 s19;
	s19 =	smov.u32 s28;
	s28 =	smov.u32 s29  }
0x106: {  	s29 =	smov.u32 s30;
	s30 =	smov.u32 s18;
	s18 =	simm.s32 $0x3  }
0x107: {  	[tilespmem:s31], [sflag:$0x3] =	stream.linear.gather [hbm4b:s0+s2], $0x4000, $0x38;
	[tilespmem:$0x8000] =	vst v63  }
0x108: {  	_ =	swait.ge [sflag:s18], $0x4000  }
0x109: {  	[sflag:s18] =	ssyncset.done $0x0  }
0x10a: {  	[sflag:s18] =	ssyncadd.s32 $0xFFFFC000  }
0x10b: {  	[hbm4b:s19+s2] =	stream.linear.scatter [tilespmem:s31], [sflag:$0x2], $0x4000, $0x38;
	[tilespmem:$0x8000] =	vst v63  }
0x10c: {  	_ = 	snop  }
0x10d: {  	[hbm4b:s20+s2] =	stream.linear.scatter [tilespmem:s31], [sflag:$0x2], $0x4000, $0x38;
	[tilespmem:$0x8000] =	vst v63  }
0x10e: {  	_ = 	snop  }
0x10f: {  	[hbm4b:s21+s2] =	stream.linear.scatter [tilespmem:s31], [sflag:$0x2], $0x4000, $0x38;
	[tilespmem:$0x8000] =	vst v63  }
0x110: {  	_ = 	snop  }
0x111: {  	[hbm4b:s22+s2] =	stream.linear.scatter [tilespmem:s31], [sflag:$0x2], $0x4000, $0x38;
	[tilespmem:$0x8000] =	vst v63  }
0x112: {  	_ = 	snop  }
0x113: {  	[hbm4b:s23+s2] =	stream.linear.scatter [tilespmem:s31], [sflag:$0x2], $0x4000, $0x38;
	[tilespmem:$0x8000] =	vst v63  }
0x114: {  	_ = 	snop  }
0x115: {  	[hbm4b:s24+s2] =	stream.linear.scatter [tilespmem:s31], [sflag:$0x2], $0x4000, $0x38;
	[tilespmem:$0x8000] =	vst v63  }
0x116: {  	_ = 	snop  }
0x117: {  	[hbm4b:s25+s2] =	stream.linear.scatter [tilespmem:s31], [sflag:$0x2], $0x4000, $0x38;
	[tilespmem:$0x8000] =	vst v63  }
0x118: {  	_ = 	snop  }
0x119: {  	[hbm4b:s26+s2] =	stream.linear.scatter [tilespmem:s31], [sflag:$0x2], $0x4000, $0x38;
	[tilespmem:$0x8000] =	vst v63  }
0x11a: {  	_ = 	snop  }
0x11b: {  	[hbm4b:s28+s2] =	stream.linear.scatter [tilespmem:s31], [sflag:$0x2], $0x4000, $0x38;
	[tilespmem:$0x8000] =	vst v63  }
0x11c: {  	_ = 	snop  }
0x11d: {  	[hbm4b:s29+s2] =	stream.linear.scatter [tilespmem:s31], [sflag:$0x2], $0x4000, $0x38;
	[tilespmem:$0x8000] =	vst v63  }
0x11e: {  	_ = 	snop  }
0x11f: {  	[hbm4b:s30+s2] =	stream.linear.scatter [tilespmem:s31], [sflag:$0x2], $0x4000, $0x38;
	[tilespmem:$0x8000] =	vst v63  }
0x120: {  	_ =	swait.ge [sflag:s4], $0x4000  }
0x121: {  	[sflag:s4] =	ssyncset.done $0x0  }
0x122: {  	[sflag:s4] =	ssyncadd.s32 $0xFFFFC000  }
0x123: {  	_ =	swait.ge [sflag:s4], $0x4000  }
0x124: {  	[sflag:s4] =	ssyncset.done $0x0  }
0x125: {  	[sflag:s4] =	ssyncadd.s32 $0xFFFFC000  }
0x126: {  	_ =	swait.ge [sflag:s4], $0x4000  }
0x127: {  	[sflag:s4] =	ssyncset.done $0x0  }
0x128: {  	[sflag:s4] =	ssyncadd.s32 $0xFFFFC000  }
0x129: {  	_ =	swait.ge [sflag:s4], $0x4000  }
0x12a: {  	[sflag:s4] =	ssyncset.done $0x0  }
0x12b: {  	[sflag:s4] =	ssyncadd.s32 $0xFFFFC000  }
0x12c: {  	_ =	swait.ge [sflag:s4], $0x4000  }
0x12d: {  	[sflag:s4] =	ssyncset.done $0x0  }
0x12e: {  	[sflag:s4] =	ssyncadd.s32 $0xFFFFC000  }
0x12f: {  	_ =	swait.ge [sflag:s4], $0x4000  }
0x130: {  	[sflag:s4] =	ssyncset.done $0x0  }
0x131: {  	[sflag:s4] =	ssyncadd.s32 $0xFFFFC000  }
0x132: {  	_ =	swait.ge [sflag:s4], $0x4000  }
0x133: {  	[sflag:s4] =	ssyncset.done $0x0  }
0x134: {  	[sflag:s4] =	ssyncadd.s32 $0xFFFFC000  }
0x135: {  	_ =	swait.ge [sflag:s4], $0x4000  }
0x136: {  	[sflag:s4] =	ssyncset.done $0x0  }
0x137: {  	[sflag:s4] =	ssyncadd.s32 $0xFFFFC000  }
0x138: {  	_ =	swait.ge [sflag:s4], $0x4000  }
0x139: {  	[sflag:s4] =	ssyncset.done $0x0  }
0x13a: {  	[sflag:s4] =	ssyncadd.s32 $0xFFFFC000  }
0x13b: {  	_ =	swait.ge [sflag:s4], $0x4000  }
0x13c: {  	[sflag:s4] =	ssyncset.done $0x0  }
0x13d: {  	[sflag:s4] =	ssyncadd.s32 $0xFFFFC000  }
0x13e: {  	_ =	swait.ge [sflag:s4], $0x4000  }
0x13f: {  	[sflag:s4] =	ssyncset.done $0x0  }
0x140: {  	[sflag:s4] =	ssyncadd.s32 $0xFFFFC000  }
0x141: {  	[tilespmem:s2], [sflag:$0x3] =	stream.linear.gather [hbm4b:s15+s2], $0x4000, $0x38;
	[tilespmem:$0x8000] =	vst v63  }
0x142: {  	_ =	swait.ge [sflag:s18], $0x4000  }
0x143: {  	[sflag:s18] =	ssyncset.done $0x0  }
0x144: {  	[sflag:s18] =	ssyncadd.s32 $0xFFFFC000  }
0x145: {  	[hbm4b:s5+s2] =	stream.linear.scatter [tilespmem:s2], [sflag:$0x1], $0x4000, $0x38;
	[tilespmem:$0x8000] =	vst v63  }
0x146: {  	_ = 	snop  }
0x147: {  	[hbm4b:s7+s2] =	stream.linear.scatter [tilespmem:s2], [sflag:$0x1], $0x4000, $0x38;
	[tilespmem:$0x8000] =	vst v63  }
0x148: {  	_ = 	snop  }
0x149: {  	[hbm4b:s8+s2] =	stream.linear.scatter [tilespmem:s2], [sflag:$0x1], $0x4000, $0x38;
	[tilespmem:$0x8000] =	vst v63  }
0x14a: {  	_ = 	snop  }
0x14b: {  	[hbm4b:s9+s2] =	stream.linear.scatter [tilespmem:s2], [sflag:$0x1], $0x4000, $0x38;
	[tilespmem:$0x8000] =	vst v63  }
0x14c: {  	_ = 	snop  }
0x14d: {  	[hbm4b:s10+s2] =	stream.linear.scatter [tilespmem:s2], [sflag:$0x1], $0x4000, $0x38;
	[tilespmem:$0x8000] =	vst v63  }
0x14e: {  	_ = 	snop  }
0x14f: {  	[hbm4b:s11+s2] =	stream.linear.scatter [tilespmem:s2], [sflag:$0x1], $0x4000, $0x38;
	[tilespmem:$0x8000] =	vst v63  }
0x150: {  	_ = 	snop  }
0x151: {  	[hbm4b:s12+s2] =	stream.linear.scatter [tilespmem:s2], [sflag:$0x1], $0x4000, $0x38;
	[tilespmem:$0x8000] =	vst v63  }
0x152: {  	_ = 	snop  }
0x153: {  	[hbm4b:s13+s2] =	stream.linear.scatter [tilespmem:s2], [sflag:$0x1], $0x4000, $0x38;
	[tilespmem:$0x8000] =	vst v63  }
0x154: {  	_ = 	snop  }
0x155: {  	[hbm4b:s14+s2] =	stream.linear.scatter [tilespmem:s2], [sflag:$0x1], $0x4000, $0x38;
	[tilespmem:$0x8000] =	vst v63  }
0x156: {  	_ = 	snop  }
0x157: {  	[hbm4b:s16+s2] =	stream.linear.scatter [tilespmem:s2], [sflag:$0x1], $0x4000, $0x38;
	[tilespmem:$0x8000] =	vst v63  }
0x158: {  	_ = 	snop  }
0x159: {  	[hbm4b:s17+s2] =	stream.linear.scatter [tilespmem:s2], [sflag:$0x1], $0x4000, $0x38;
	[tilespmem:$0x8000] =	vst v63  }
0x15a: {  	_ =	swait.ge [sflag:s4], $0x4000  }
0x15b: {  	[sflag:s4] =	ssyncset.done $0x0  }
0x15c: {  	[sflag:s4] =	ssyncadd.s32 $0xFFFFC000  }
0x15d: {  	_ =	swait.ge [sflag:s4], $0x4000  }
0x15e: {  	[sflag:s4] =	ssyncset.done $0x0  }
0x15f: {  	[sflag:s4] =	ssyncadd.s32 $0xFFFFC000  }
0x160: {  	_ =	swait.ge [sflag:s4], $0x4000  }
0x161: {  	[sflag:s4] =	ssyncset.done $0x0  }
0x162: {  	[sflag:s4] =	ssyncadd.s32 $0xFFFFC000  }
0x163: {  	_ =	swait.ge [sflag:s4], $0x4000  }
0x164: {  	[sflag:s4] =	ssyncset.done $0x0  }
0x165: {  	[sflag:s4] =	ssyncadd.s32 $0xFFFFC000  }
0x166: {  	_ =	swait.ge [sflag:s4], $0x4000  }
0x167: {  	[sflag:s4] =	ssyncset.done $0x0  }
0x168: {  	[sflag:s4] =	ssyncadd.s32 $0xFFFFC000  }
0x169: {  	_ =	swait.ge [sflag:s4], $0x4000  }
0x16a: {  	[sflag:s4] =	ssyncset.done $0x0  }
0x16b: {  	[sflag:s4] =	ssyncadd.s32 $0xFFFFC000  }
0x16c: {  	_ =	swait.ge [sflag:s4], $0x4000  }
0x16d: {  	[sflag:s4] =	ssyncset.done $0x0  }
0x16e: {  	[sflag:s4] =	ssyncadd.s32 $0xFFFFC000  }
0x16f: {  	_ =	swait.ge [sflag:s4], $0x4000  }
0x170: {  	[sflag:s4] =	ssyncset.done $0x0  }
0x171: {  	[sflag:s4] =	ssyncadd.s32 $0xFFFFC000  }
0x172: {  	_ =	swait.ge [sflag:s4], $0x4000  }
0x173: {  	[sflag:s4] =	ssyncset.done $0x0  }
0x174: {  	[sflag:s4] =	ssyncadd.s32 $0xFFFFC000  }
0x175: {  	_ =	swait.ge [sflag:s4], $0x4000  }
0x176: {  	[sflag:s4] =	ssyncset.done $0x0  }
0x177: {  	[sflag:s4] =	ssyncadd.s32 $0xFFFFC000  }
0x178: {  	_ =	swait.ge [sflag:s4], $0x4000  }
0x179: {  	[sflag:s4] =	ssyncset.done $0x0  }
0x17a: {  	[sflag:s4] =	ssyncadd.s32 $0xFFFFC000  }
0x17b: {  	_ =	swait.ge [sflag:s3], $0x4000  }
0x17c: {  	[sflag:s3] =	ssyncset.done $0x0  }
0x17d: {  	[sflag:s3] =	ssyncadd.s32 $0xFFFFC000  }
0x17e: {  	_ =	swait.ge [sflag:s3], $0x4000  }
0x17f: {  	[sflag:s3] =	ssyncset.done $0x0  }
0x180: {  	[sflag:s3] =	ssyncadd.s32 $0xFFFFC000  }
0x181: {  	_ =	swait.ge [sflag:s3], $0x4000  }
0x182: {  	[sflag:s3] =	ssyncset.done $0x0  }
0x183: {  	[sflag:s3] =	ssyncadd.s32 $0xFFFFC000  }
0x184: {  	_ =	swait.ge [sflag:s3], $0x4000  }
0x185: {  	[sflag:s3] =	ssyncset.done $0x0  }
0x186: {  	[sflag:s3] =	ssyncadd.s32 $0xFFFFC000  }
0x187: {  	_ =	swait.ge [sflag:s3], $0x4000  }
0x188: {  	[sflag:s3] =	ssyncset.done $0x0  }
0x189: {  	[sflag:s3] =	ssyncadd.s32 $0xFFFFC000  }
0x18a: {  	_ =	swait.ge [sflag:s3], $0x4000  }
0x18b: {  	[sflag:s3] =	ssyncset.done $0x0  }
0x18c: {  	[sflag:s3] =	ssyncadd.s32 $0xFFFFC000  }
0x18d: {  	_ =	swait.ge [sflag:s3], $0x4000  }
0x18e: {  	[sflag:s3] =	ssyncset.done $0x0  }
0x18f: {  	[sflag:s3] =	ssyncadd.s32 $0xFFFFC000  }
0x190: {  	_ =	swait.ge [sflag:s3], $0x4000  }
0x191: {  	[sflag:s3] =	ssyncset.done $0x0  }
0x192: {  	[sflag:s3] =	ssyncadd.s32 $0xFFFFC000  }
0x193: {  	_ =	swait.ge [sflag:s3], $0x4000  }
0x194: {  	[sflag:s3] =	ssyncset.done $0x0  }
0x195: {  	p1 =	sne.s32 s1, $0x1;
	[sflag:s3] =	ssyncadd.s32 $0xFFFFC000  }
.Ltmp2:
0x196: {  	_ =	swait.ge [sflag:s3], $0x4000;
	(pc) =	sbr.rel @p1 .LBB2_2-.Ltmp2, $4  }
0x197: {  	[sflag:s3] =	ssyncset.done $0x0  }
0x198: {  	[sflag:s3] =	ssyncadd.s32 $0xFFFFC000  }
0x199: {  	_ =	swait.ge [sflag:s3], $0x4000  }
0x19a: {  	s1 =	sadd.s32 $0xFFFFFFFF, s1;
	s0 =	rddreg [dreg:$0x3];
	[sflag:s3] =	ssyncset.done $0x0  }
.LBB2_3:
0x19b: {  	[sflag:s3] =	ssyncadd.s32 @p0 $0xFFFFC000  }
0x19c: {  	[tilespmem:s2], [sflag:$0x3] =	stream.linear.gather [hbm4b:s0+s2], $0x4000, $0x38;
	[tilespmem:$0x8000] =	vst v63  }
0x19d: {  	_ =	swait.ge [sflag:s18], $0x4000  }
0x19e: {  	[sflag:s18] =	ssyncset.done $0x0  }
0x19f: {  	[sflag:s18] =	ssyncadd.s32 $0xFFFFC000  }
0x1a0: {  	[hbm4b:s6+s2] =	stream.linear.scatter [tilespmem:s2], [sflag:$0x1], $0x4000, $0x38;
	[tilespmem:$0x8000] =	vst v63  }
0x1a1: {  	s0 =	rddreg [dreg:$0x4]  }
0x1a2: {  	[hbm4b:s0+s2] =	stream.linear.scatter [tilespmem:s2], [sflag:$0x1], $0x4000, $0x38;
	[tilespmem:$0x8000] =	vst v63  }
0x1a3: {  	s1 =	rddreg [dreg:$0x5]  }
0x1a4: {  	[hbm4b:s1+s2] =	stream.linear.scatter [tilespmem:s2], [sflag:$0x1], $0x4000, $0x38;
	[tilespmem:$0x8000] =	vst v63  }
0x1a5: {  	s6 =	rddreg [dreg:$0x6]  }
0x1a6: {  	[hbm4b:s6+s2] =	stream.linear.scatter [tilespmem:s2], [sflag:$0x1], $0x4000, $0x38;
	[tilespmem:$0x8000] =	vst v63  }
0x1a7: {  	s1 =	rddreg [dreg:$0x7]  }
0x1a8: {  	[hbm4b:s1+s2] =	stream.linear.scatter [tilespmem:s2], [sflag:$0x1], $0x4000, $0x38;
	[tilespmem:$0x8000] =	vst v63  }
0x1a9: {  	s6 =	rddreg [dreg:$0x8]  }
0x1aa: {  	[hbm4b:s6+s2] =	stream.linear.scatter [tilespmem:s2], [sflag:$0x1], $0x4000, $0x38;
	[tilespmem:$0x8000] =	vst v63  }
0x1ab: {  	s1 =	rddreg [dreg:$0x9]  }
0x1ac: {  	[hbm4b:s1+s2] =	stream.linear.scatter [tilespmem:s2], [sflag:$0x1], $0x4000, $0x38;
	[tilespmem:$0x8000] =	vst v63  }
0x1ad: {  	s6 =	rddreg [dreg:$0xa]  }
0x1ae: {  	[hbm4b:s6+s2] =	stream.linear.scatter [tilespmem:s2], [sflag:$0x1], $0x4000, $0x38;
	[tilespmem:$0x8000] =	vst v63  }
0x1af: {  	s1 =	rddreg [dreg:$0xb]  }
0x1b0: {  	[hbm4b:s1+s2] =	stream.linear.scatter [tilespmem:s2], [sflag:$0x1], $0x4000, $0x38;
	[tilespmem:$0x8000] =	vst v63  }
0x1b1: {  	s6 =	rddreg [dreg:$0xc]  }
0x1b2: {  	[hbm4b:s6+s2] =	stream.linear.scatter [tilespmem:s2], [sflag:$0x1], $0x4000, $0x38;
	[tilespmem:$0x8000] =	vst v63  }
0x1b3: {  	s1 =	rddreg [dreg:$0xd]  }
0x1b4: {  	[hbm4b:s1+s2] =	stream.linear.scatter [tilespmem:s2], [sflag:$0x1], $0x4000, $0x38;
	[tilespmem:$0x8000] =	vst v63  }
0x1b5: {  	s6 =	rddreg [dreg:$0xe]  }
0x1b6: {  	[tilespmem:s31], [sflag:$0x3] =	stream.linear.gather [hbm4b:s6+s2], $0x4000, $0x38;
	[tilespmem:$0x8000] =	vst v63  }
0x1b7: {  	_ =	swait.ge [sflag:s18], $0x4000  }
0x1b8: {  	[sflag:s18] =	ssyncset.done $0x0  }
0x1b9: {  	[sflag:s18] =	ssyncadd.s32 $0xFFFFC000  }
0x1ba: {  	[hbm4b:s19+s2] =	stream.linear.scatter [tilespmem:s31], [sflag:$0x2], $0x4000, $0x38;
	[tilespmem:$0x8000] =	vst v63  }
0x1bb: {  	_ = 	snop  }
0x1bc: {  	[hbm4b:s20+s2] =	stream.linear.scatter [tilespmem:s31], [sflag:$0x2], $0x4000, $0x38;
	[tilespmem:$0x8000] =	vst v63  }
0x1bd: {  	_ = 	snop  }
0x1be: {  	[hbm4b:s21+s2] =	stream.linear.scatter [tilespmem:s31], [sflag:$0x2], $0x4000, $0x38;
	[tilespmem:$0x8000] =	vst v63  }
0x1bf: {  	_ = 	snop  }
0x1c0: {  	[hbm4b:s22+s2] =	stream.linear.scatter [tilespmem:s31], [sflag:$0x2], $0x4000, $0x38;
	[tilespmem:$0x8000] =	vst v63  }
0x1c1: {  	_ = 	snop  }
0x1c2: {  	[hbm4b:s23+s2] =	stream.linear.scatter [tilespmem:s31], [sflag:$0x2], $0x4000, $0x38;
	[tilespmem:$0x8000] =	vst v63  }
0x1c3: {  	_ = 	snop  }
0x1c4: {  	[hbm4b:s24+s2] =	stream.linear.scatter [tilespmem:s31], [sflag:$0x2], $0x4000, $0x38;
	[tilespmem:$0x8000] =	vst v63  }
0x1c5: {  	_ = 	snop  }
0x1c6: {  	[hbm4b:s25+s2] =	stream.linear.scatter [tilespmem:s31], [sflag:$0x2], $0x4000, $0x38;
	[tilespmem:$0x8000] =	vst v63  }
0x1c7: {  	_ = 	snop  }
0x1c8: {  	[hbm4b:s26+s2] =	stream.linear.scatter [tilespmem:s31], [sflag:$0x2], $0x4000, $0x38;
	[tilespmem:$0x8000] =	vst v63  }
0x1c9: {  	_ = 	snop  }
0x1ca: {  	[hbm4b:s28+s2] =	stream.linear.scatter [tilespmem:s31], [sflag:$0x2], $0x4000, $0x38;
	[tilespmem:$0x8000] =	vst v63  }
0x1cb: {  	_ = 	snop  }
0x1cc: {  	[hbm4b:s29+s2] =	stream.linear.scatter [tilespmem:s31], [sflag:$0x2], $0x4000, $0x38;
	[tilespmem:$0x8000] =	vst v63  }
0x1cd: {  	_ = 	snop  }
0x1ce: {  	[hbm4b:s30+s2] =	stream.linear.scatter [tilespmem:s31], [sflag:$0x2], $0x4000, $0x38;
	[tilespmem:$0x8000] =	vst v63  }
0x1cf: {  	_ =	swait.ge [sflag:s4], $0x4000  }
0x1d0: {  	[sflag:s4] =	ssyncset.done $0x0  }
0x1d1: {  	[sflag:s4] =	ssyncadd.s32 $0xFFFFC000  }
0x1d2: {  	_ =	swait.ge [sflag:s4], $0x4000  }
0x1d3: {  	[sflag:s4] =	ssyncset.done $0x0  }
0x1d4: {  	[sflag:s4] =	ssyncadd.s32 $0xFFFFC000  }
0x1d5: {  	_ =	swait.ge [sflag:s4], $0x4000  }
0x1d6: {  	[sflag:s4] =	ssyncset.done $0x0  }
0x1d7: {  	[sflag:s4] =	ssyncadd.s32 $0xFFFFC000  }
0x1d8: {  	_ =	swait.ge [sflag:s4], $0x4000  }
0x1d9: {  	[sflag:s4] =	ssyncset.done $0x0  }
0x1da: {  	[sflag:s4] =	ssyncadd.s32 $0xFFFFC000  }
0x1db: {  	_ =	swait.ge [sflag:s4], $0x4000  }
0x1dc: {  	[sflag:s4] =	ssyncset.done $0x0  }
0x1dd: {  	[sflag:s4] =	ssyncadd.s32 $0xFFFFC000  }
0x1de: {  	_ =	swait.ge [sflag:s4], $0x4000  }
0x1df: {  	[sflag:s4] =	ssyncset.done $0x0  }
0x1e0: {  	[sflag:s4] =	ssyncadd.s32 $0xFFFFC000  }
0x1e1: {  	_ =	swait.ge [sflag:s4], $0x4000  }
0x1e2: {  	[sflag:s4] =	ssyncset.done $0x0  }
0x1e3: {  	[sflag:s4] =	ssyncadd.s32 $0xFFFFC000  }
0x1e4: {  	_ =	swait.ge [sflag:s4], $0x4000  }
0x1e5: {  	[sflag:s4] =	ssyncset.done $0x0  }
0x1e6: {  	[sflag:s4] =	ssyncadd.s32 $0xFFFFC000  }
0x1e7: {  	_ =	swait.ge [sflag:s4], $0x4000  }
0x1e8: {  	[sflag:s4] =	ssyncset.done $0x0  }
0x1e9: {  	[sflag:s4] =	ssyncadd.s32 $0xFFFFC000  }
0x1ea: {  	_ =	swait.ge [sflag:s4], $0x4000  }
0x1eb: {  	[sflag:s4] =	ssyncset.done $0x0  }
0x1ec: {  	[sflag:s4] =	ssyncadd.s32 $0xFFFFC000  }
0x1ed: {  	_ =	swait.ge [sflag:s4], $0x4000  }
0x1ee: {  	[sflag:s4] =	ssyncset.done $0x0  }
0x1ef: {  	[sflag:s4] =	ssyncadd.s32 $0xFFFFC000  }
0x1f0: {  	[tilespmem:s2], [sflag:$0x3] =	stream.linear.gather [hbm4b:s15+s2], $0x4000, $0x38;
	[tilespmem:$0x8000] =	vst v63  }
0x1f1: {  	_ =	swait.ge [sflag:s18], $0x4000  }
0x1f2: {  	[sflag:s18] =	ssyncset.done $0x0  }
0x1f3: {  	[sflag:s18] =	ssyncadd.s32 $0xFFFFC000  }
0x1f4: {  	[hbm4b:s5+s2] =	stream.linear.scatter [tilespmem:s2], [sflag:$0x1], $0x4000, $0x38;
	[tilespmem:$0x8000] =	vst v63  }
0x1f5: {  	_ = 	snop  }
0x1f6: {  	[hbm4b:s7+s2] =	stream.linear.scatter [tilespmem:s2], [sflag:$0x1], $0x4000, $0x38;
	[tilespmem:$0x8000] =	vst v63  }
0x1f7: {  	_ = 	snop  }
0x1f8: {  	[hbm4b:s8+s2] =	stream.linear.scatter [tilespmem:s2], [sflag:$0x1], $0x4000, $0x38;
	[tilespmem:$0x8000] =	vst v63  }
0x1f9: {  	_ = 	snop  }
0x1fa: {  	[hbm4b:s9+s2] =	stream.linear.scatter [tilespmem:s2], [sflag:$0x1], $0x4000, $0x38;
	[tilespmem:$0x8000] =	vst v63  }
0x1fb: {  	_ = 	snop  }
0x1fc: {  	[hbm4b:s10+s2] =	stream.linear.scatter [tilespmem:s2], [sflag:$0x1], $0x4000, $0x38;
	[tilespmem:$0x8000] =	vst v63  }
0x1fd: {  	_ = 	snop  }
0x1fe: {  	[hbm4b:s11+s2] =	stream.linear.scatter [tilespmem:s2], [sflag:$0x1], $0x4000, $0x38;
	[tilespmem:$0x8000] =	vst v63  }
0x1ff: {  	_ = 	snop  }
0x200: {  	[hbm4b:s12+s2] =	stream.linear.scatter [tilespmem:s2], [sflag:$0x1], $0x4000, $0x38;
	[tilespmem:$0x8000] =	vst v63  }
0x201: {  	_ = 	snop  }
0x202: {  	[hbm4b:s13+s2] =	stream.linear.scatter [tilespmem:s2], [sflag:$0x1], $0x4000, $0x38;
	[tilespmem:$0x8000] =	vst v63  }
0x203: {  	_ = 	snop  }
0x204: {  	[hbm4b:s14+s2] =	stream.linear.scatter [tilespmem:s2], [sflag:$0x1], $0x4000, $0x38;
	[tilespmem:$0x8000] =	vst v63  }
0x205: {  	_ = 	snop  }
0x206: {  	[hbm4b:s16+s2] =	stream.linear.scatter [tilespmem:s2], [sflag:$0x1], $0x4000, $0x38;
	[tilespmem:$0x8000] =	vst v63  }
0x207: {  	_ = 	snop  }
0x208: {  	[hbm4b:s17+s2] =	stream.linear.scatter [tilespmem:s2], [sflag:$0x1], $0x4000, $0x38;
	[tilespmem:$0x8000] =	vst v63  }
0x209: {  	_ =	swait.ge [sflag:s4], $0x4000  }
0x20a: {  	[sflag:s4] =	ssyncset.done $0x0  }
0x20b: {  	[sflag:s4] =	ssyncadd.s32 $0xFFFFC000  }
0x20c: {  	_ =	swait.ge [sflag:s4], $0x4000  }
0x20d: {  	[sflag:s4] =	ssyncset.done $0x0  }
0x20e: {  	[sflag:s4] =	ssyncadd.s32 $0xFFFFC000  }
0x20f: {  	_ =	swait.ge [sflag:s4], $0x4000  }
0x210: {  	[sflag:s4] =	ssyncset.done $0x0  }
0x211: {  	[sflag:s4] =	ssyncadd.s32 $0xFFFFC000  }
0x212: {  	_ =	swait.ge [sflag:s4], $0x4000  }
0x213: {  	[sflag:s4] =	ssyncset.done $0x0  }
0x214: {  	[sflag:s4] =	ssyncadd.s32 $0xFFFFC000  }
0x215: {  	_ =	swait.ge [sflag:s4], $0x4000  }
0x216: {  	[sflag:s4] =	ssyncset.done $0x0  }
0x217: {  	[sflag:s4] =	ssyncadd.s32 $0xFFFFC000  }
0x218: {  	_ =	swait.ge [sflag:s4], $0x4000  }
0x219: {  	[sflag:s4] =	ssyncset.done $0x0  }
0x21a: {  	[sflag:s4] =	ssyncadd.s32 $0xFFFFC000  }
0x21b: {  	_ =	swait.ge [sflag:s4], $0x4000  }
0x21c: {  	[sflag:s4] =	ssyncset.done $0x0  }
0x21d: {  	[sflag:s4] =	ssyncadd.s32 $0xFFFFC000  }
0x21e: {  	_ =	swait.ge [sflag:s4], $0x4000  }
0x21f: {  	[sflag:s4] =	ssyncset.done $0x0  }
0x220: {  	[sflag:s4] =	ssyncadd.s32 $0xFFFFC000  }
0x221: {  	_ =	swait.ge [sflag:s4], $0x4000  }
0x222: {  	[sflag:s4] =	ssyncset.done $0x0  }
0x223: {  	[sflag:s4] =	ssyncadd.s32 $0xFFFFC000  }
0x224: {  	_ =	swait.ge [sflag:s4], $0x4000  }
0x225: {  	[sflag:s4] =	ssyncset.done $0x0  }
0x226: {  	[sflag:s4] =	ssyncadd.s32 $0xFFFFC000  }
0x227: {  	_ =	swait.ge [sflag:s4], $0x4000  }
0x228: {  	[sflag:s4] =	ssyncset.done $0x0  }
0x229: {  	[sflag:s4] =	ssyncadd.s32 $0xFFFFC000  }
0x22a: {  	_ =	swait.ge [sflag:s3], $0x4000  }
0x22b: {  	[sflag:s3] =	ssyncset.done $0x0  }
0x22c: {  	[sflag:s3] =	ssyncadd.s32 $0xFFFFC000  }
0x22d: {  	_ =	swait.ge [sflag:s3], $0x4000  }
0x22e: {  	[sflag:s3] =	ssyncset.done $0x0  }
0x22f: {  	[sflag:s3] =	ssyncadd.s32 $0xFFFFC000  }
0x230: {  	_ =	swait.ge [sflag:s3], $0x4000  }
0x231: {  	[sflag:s3] =	ssyncset.done $0x0  }
0x232: {  	[sflag:s3] =	ssyncadd.s32 $0xFFFFC000  }
0x233: {  	_ =	swait.ge [sflag:s3], $0x4000  }
0x234: {  	[sflag:s3] =	ssyncset.done $0x0  }
0x235: {  	[sflag:s3] =	ssyncadd.s32 $0xFFFFC000  }
0x236: {  	_ =	swait.ge [sflag:s3], $0x4000  }
0x237: {  	[sflag:s3] =	ssyncset.done $0x0  }
0x238: {  	[sflag:s3] =	ssyncadd.s32 $0xFFFFC000  }
0x239: {  	_ =	swait.ge [sflag:s3], $0x4000  }
0x23a: {  	[sflag:s3] =	ssyncset.done $0x0  }
0x23b: {  	[sflag:s3] =	ssyncadd.s32 $0xFFFFC000  }
0x23c: {  	_ =	swait.ge [sflag:s3], $0x4000  }
0x23d: {  	[sflag:s3] =	ssyncset.done $0x0  }
0x23e: {  	[sflag:s3] =	ssyncadd.s32 $0xFFFFC000  }
0x23f: {  	_ =	swait.ge [sflag:s3], $0x4000  }
0x240: {  	[sflag:s3] =	ssyncset.done $0x0  }
0x241: {  	[sflag:s3] =	ssyncadd.s32 $0xFFFFC000  }
0x242: {  	_ =	swait.ge [sflag:s3], $0x4000  }
0x243: {  	[sflag:s3] =	ssyncset.done $0x0  }
0x244: {  	[sflag:s3] =	ssyncadd.s32 $0xFFFFC000  }
0x245: {  	_ =	swait.ge [sflag:s3], $0x4000  }
0x246: {  	[sflag:s3] =	ssyncset.done $0x0  }
0x247: {  	[sflag:s3] =	ssyncadd.s32 $0xFFFFC000  }
0x248: {  	_ =	swait.ge [sflag:s3], $0x4000  }
0x249: {  	[sflag:s3] =	ssyncset.done $0x0  }
0x24a: {  	[sflag:s3] =	ssyncadd.s32 $0xFFFFC000  }
0x24b: {  	_ =	sfence.sel $0x180000  }
0x24c: {  	[bflag:$0x0] =	sbarrier.arrive $0xFFFF  }
0x24d: {  	_ =	strace $0x90000047  }
0x24e: {  	s31 =	stileid.u32;
	[bflag:$0x2] =	sbarrier.arrive $0xFFFF  }
0x24f: {  	p0 =	sne.s32 s31, $0x0;
	s0 =	rddreg [dreg:$0x2]  }
0x250: {  	s0 =	sadd.s32 @!p0 $0x100000, s0  }
0x251: {  	[sflag:s0] =	ssyncadd.tile.s32 @!p0 $0x1;
	_ =	shalt  }
.Lfunc_end2:
_tile_overlayer_lowered:
.L_overlay_start_2:
0x252: {  	(tag) =	ssettag $0x2  }
0x253: {  	s0 =	rddreg [dreg:$0x0];
	s2 =	stileid.u32  }
0x254: {  	s1 =	rddreg [dreg:$0x1];
	p0 =	sne.s32 s2, $0x0  }
0x255: {  	s3 =	rddreg [dreg:$0x2];
	[bflag:$0x3] =	sbarrier.arrive $0xFFFF;
	s2 =	simm.s32 @!p0 $0x1C03  }
0x256: {  	[timem:s3], [sflag:s2] =	dma.local @!p0 [hbm:s0], s1  }
0x257: {  	s0 =	simm.s32 @!p0 $0x3  }
0x258: {  	_ =	swait.ge @!p0 [sflag:s0], s1  }
0x259: {  	s1 =	ssub.s32 @!p0 $0x0, s1;
	[sflag:s0] =	ssyncset.done @!p0 $0x0  }
0x25a: {  	[sflag:s0] =	ssyncadd.s32 @!p0 s1  }
0x25b: {  	[bflag:$0x3] =	sbarrier.arrive $0xFFFF  }
0x25c: {  	_ =	shalt  }

</sc_bundles>
